<compile_context>
chip_gen: v7x
topology: tpu7x:2x2x1
jax: 0.10.2.dev20260603
libtpu: 0.0.44.dev20260713+nightly
codegen_flags: <defaults>
</compile_context>

<pallas_src>
import jax
import jax.numpy as jnp
from jax import lax
from jax.experimental import pallas as pl
from jax.experimental.pallas import tpu as pltpu
from jax.experimental.pallas import tpu_sc as plsc

N_COND = 26
N_COL = 128
BATCH = 4096
K = N_COND * N_COL
L = 16

NC = 2
NS = 16
NW = NC * NS
ROWS_PER_W = BATCH // NW
R = 4
CHUNKS = ROWS_PER_W // R
CHUNK_ELEMS = R * K
NBUF = 4


def _permute_rows(perm_v, in_v, out_v):

    @plsc.parallel_loop(0, K // L, unroll=4)
    def body(j):
        p = perm_v[pl.ds(j * L, L)]
        q = lax.shift_right_logical(p, 7)
        c = p & 127
        for r in range(R):
            rv = jnp.full((L,), r, jnp.int32)
            g = plsc.load_gather(in_v, [q, rv, c])
            out_v[pl.ds(j * L + r * K, L)] = g


def _sc_kernel(m_hbm, perm_hbm, out_hbm, perm_v, *bufs_and_sems):
    ins = bufs_and_sems[:NBUF]
    outs = bufs_and_sems[NBUF:2 * NBUF]
    sins = bufs_and_sems[2 * NBUF:3 * NBUF]
    souts = bufs_and_sems[3 * NBUF:4 * NBUF]

    wid = lax.axis_index("s") * NC + lax.axis_index("c")
    row0 = wid * ROWS_PER_W
    obase = row0 * K

    def start_in(c, p):
        b = row0 + c * R
        pltpu.async_copy(m_hbm.at[:, pl.ds(b, R), :], ins[p], sins[p])

    def wait_in(p):
        pltpu.make_async_copy(
            m_hbm.at[:, pl.ds(0, R), :], ins[p], sins[p]).wait()

    def start_out(c, p):
        off = obase + c * CHUNK_ELEMS
        pltpu.async_copy(outs[p], out_hbm.at[pl.ds(off, CHUNK_ELEMS)], souts[p])

    def wait_out(p):
        pltpu.make_async_copy(
            outs[p], out_hbm.at[pl.ds(0, CHUNK_ELEMS)], souts[p]).wait()

    for p in range(NBUF):
        start_in(p, p)
    pltpu.sync_copy(perm_hbm, perm_v)

    def step(k, _):
        for p in range(NBUF):
            c = NBUF * k + p
            wait_in(p)
            @pl.when(k > 0)
            def _():
                wait_out(p)
            _permute_rows(perm_v, ins[p], outs[p])
            start_out(c, p)
            @pl.when(c + NBUF < CHUNKS)
            def _():
                start_in(c + NBUF, p)
        return 0

    lax.fori_loop(0, CHUNKS // NBUF, step, 0, unroll=False)
    for p in range(NBUF):
        wait_out(p)


@jax.jit
def _run(m_t, perm):
    mesh = plsc.VectorSubcoreMesh(core_axis_name="c", subcore_axis_name="s")
    f = pl.kernel(
        _sc_kernel,
        out_type=jax.ShapeDtypeStruct((BATCH * K,), jnp.float32),
        mesh=mesh,
        compiler_params=pltpu.CompilerParams(needs_layout_passes=False),
        scratch_types=(
            [pltpu.VMEM((K,), jnp.int32)]
            + [pltpu.VMEM((N_COND, R, N_COL), jnp.float32)] * NBUF
            + [pltpu.VMEM((CHUNK_ELEMS,), jnp.float32)] * NBUF
            + [pltpu.SemaphoreType.DMA] * (2 * NBUF)
        ),
    )
    return f(m_t, perm)


def kernel(M, permutator):
    m_t = jnp.transpose(M, (1, 0, 2))
    perm = permutator.astype(jnp.int32)
    out = _run(m_t, perm)
    return out.reshape(BATCH, K, 1)

# --- scband reference (transcript-rebuilt; emitter-appended) ---
"""Pipeline reference for scband-r-odtconstruction-52020643889649 (READ-ONLY COPY).

The authoritative reference and input builder live on the scoring server;
editing this copy changes nothing except your own understanding.
"""

import jax, jax.numpy as jnp
import numpy as np

N_COND = 26
N_COL = 128
BATCH = 4096


def setup_inputs(seed: int = 0) -> dict:
    key = jax.random.key(seed)
    k_m, k_p = jax.random.split(key)
    M = jax.random.normal(k_m, (BATCH, N_COND, N_COL), dtype=jnp.float32)
    # Fixed random permutation built at module construction time
    # (torch: torch.rand(n_cond * n_col).argsort(-1))
    permutator = jnp.argsort(jax.random.uniform(k_p, (N_COND * N_COL,)))
    return {"M": M, "permutator": permutator}


def reference(M, permutator):
    # M.reshape(B, -1, 1)[:, permutator, :]
    flat = M.reshape(M.shape[0], -1, 1)
    return jnp.take(flat, permutator, axis=1)

if __name__ == "__main__":
    import jax
    _d = setup_inputs()
    print(jax.jit(kernel)(*tuple(_d.values())))

</pallas_src>

<mosaic_0001>
#map = affine_map<(d0, d1) -> (0, 0, 0)>
#map1 = affine_map<(d0, d1) -> (0)>
module attributes {stable_mosaic.version = 14 : i64} {
  func.func @_sc_kernel(%arg0: i32, %arg1: i32, %arg2: memref<26x4096x128xf32, #tpu.memory_space<hbm>>, %arg3: memref<3328xi32, #tpu.memory_space<hbm>>, %arg4: memref<13631488xf32, #tpu.memory_space<hbm>>, %arg5: memref<3328xi32, #tpu.memory_space<vmem>>, %arg6: memref<26x4x128xf32, #tpu.memory_space<vmem>>, %arg7: memref<26x4x128xf32, #tpu.memory_space<vmem>>, %arg8: memref<26x4x128xf32, #tpu.memory_space<vmem>>, %arg9: memref<26x4x128xf32, #tpu.memory_space<vmem>>, %arg10: memref<13312xf32, #tpu.memory_space<vmem>>, %arg11: memref<13312xf32, #tpu.memory_space<vmem>>, %arg12: memref<13312xf32, #tpu.memory_space<vmem>>, %arg13: memref<13312xf32, #tpu.memory_space<vmem>>, %arg14: memref<!tpu.dma_semaphore, #tpu.memory_space<semaphore_mem>>, %arg15: memref<!tpu.dma_semaphore, #tpu.memory_space<semaphore_mem>>, %arg16: memref<!tpu.dma_semaphore, #tpu.memory_space<semaphore_mem>>, %arg17: memref<!tpu.dma_semaphore, #tpu.memory_space<semaphore_mem>>, %arg18: memref<!tpu.dma_semaphore, #tpu.memory_space<semaphore_mem>>, %arg19: memref<!tpu.dma_semaphore, #tpu.memory_space<semaphore_mem>>, %arg20: memref<!tpu.dma_semaphore, #tpu.memory_space<semaphore_mem>>, %arg21: memref<!tpu.dma_semaphore, #tpu.memory_space<semaphore_mem>>) attributes {dimension_semantics = [#tpu.dimension_semantics<core_parallel>, #tpu.dimension_semantics<subcore_parallel>], iteration_bounds = array<i64: 2, 16>, scalar_prefetch = 0 : i64, scratch_operands = 17 : i64, tpu.core_type = #tpu.core_type<sc_vector_subcore>, window_params = [{transform_indices = #map}, {transform_indices = #map1}, {transform_indices = #map1}]} {
    %mul3A = arith.constant 2 : i32
    %mul3A_0 = arith.muli %arg1, %mul3A : i32
    %add3A = arith.addi %mul3A_0, %arg0 : i32
    %mul3A_1 = arith.constant 128 : i32
    %mul3A_2 = arith.muli %add3A, %mul3A_1 : i32
    %mul3A_3 = arith.constant 3328 : i32
    %mul3A_4 = arith.muli %mul3A_2, %mul3A_3 : i32
    %add3A_5 = arith.constant 0 : i32
    %add3A_6 = arith.addi %mul3A_2, %add3A_5 : i32
    %dma_start3A = arith.constant 0 : i32
    %dma_start3A_7 = arith.constant 0 : i32
    %dma_start3A_8 = tpu.memref_slice %arg2[%dma_start3A, %add3A_6, %dma_start3A_7] : memref<26x4096x128xf32, #tpu.memory_space<hbm>> -> memref<26x4x128xf32, #tpu.memory_space<hbm>>
    %dma_start3A_9 = arith.constant 0 : i32
    %dma_start3A_10 = arith.constant 0 : i32
    %dma_start3A_11 = tpu.memref_slice %arg2[%dma_start3A_9, %add3A_6, %dma_start3A_10] : memref<26x4096x128xf32, #tpu.memory_space<hbm>> -> memref<26x4x128xf32, #tpu.memory_space<hbm>>
    tpu.enqueue_dma source(%dma_start3A_11 : memref<26x4x128xf32, #tpu.memory_space<hbm>>) target(%arg6 : memref<26x4x128xf32, #tpu.memory_space<vmem>>) target_semaphore(%arg14 : memref<!tpu.dma_semaphore, #tpu.memory_space<semaphore_mem>>)
    %add3A_12 = arith.constant 4 : i32
    %add3A_13 = arith.addi %mul3A_2, %add3A_12 : i32
    %dma_start3A_14 = arith.constant 0 : i32
    %dma_start3A_15 = arith.constant 0 : i32
    %dma_start3A_16 = tpu.memref_slice %arg2[%dma_start3A_14, %add3A_13, %dma_start3A_15] : memref<26x4096x128xf32, #tpu.memory_space<hbm>> -> memref<26x4x128xf32, #tpu.memory_space<hbm>>
    %dma_start3A_17 = arith.constant 0 : i32
    %dma_start3A_18 = arith.constant 0 : i32
    %dma_start3A_19 = tpu.memref_slice %arg2[%dma_start3A_17, %add3A_13, %dma_start3A_18] : memref<26x4096x128xf32, #tpu.memory_space<hbm>> -> memref<26x4x128xf32, #tpu.memory_space<hbm>>
    tpu.enqueue_dma source(%dma_start3A_19 : memref<26x4x128xf32, #tpu.memory_space<hbm>>) target(%arg7 : memref<26x4x128xf32, #tpu.memory_space<vmem>>) target_semaphore(%arg15 : memref<!tpu.dma_semaphore, #tpu.memory_space<semaphore_mem>>)
    %add3A_20 = arith.constant 8 : i32
    %add3A_21 = arith.addi %mul3A_2, %add3A_20 : i32
    %dma_start3A_22 = arith.constant 0 : i32
    %dma_start3A_23 = arith.constant 0 : i32
    %dma_start3A_24 = tpu.memref_slice %arg2[%dma_start3A_22, %add3A_21, %dma_start3A_23] : memref<26x4096x128xf32, #tpu.memory_space<hbm>> -> memref<26x4x128xf32, #tpu.memory_space<hbm>>
    %dma_start3A_25 = arith.constant 0 : i32
    %dma_start3A_26 = arith.constant 0 : i32
    %dma_start3A_27 = tpu.memref_slice %arg2[%dma_start3A_25, %add3A_21, %dma_start3A_26] : memref<26x4096x128xf32, #tpu.memory_space<hbm>> -> memref<26x4x128xf32, #tpu.memory_space<hbm>>
    tpu.enqueue_dma source(%dma_start3A_27 : memref<26x4x128xf32, #tpu.memory_space<hbm>>) target(%arg8 : memref<26x4x128xf32, #tpu.memory_space<vmem>>) target_semaphore(%arg16 : memref<!tpu.dma_semaphore, #tpu.memory_space<semaphore_mem>>)
    %add3A_28 = arith.constant 12 : i32
    %add3A_29 = arith.addi %mul3A_2, %add3A_28 : i32
    %dma_start3A_30 = arith.constant 0 : i32
    %dma_start3A_31 = arith.constant 0 : i32
    %dma_start3A_32 = tpu.memref_slice %arg2[%dma_start3A_30, %add3A_29, %dma_start3A_31] : memref<26x4096x128xf32, #tpu.memory_space<hbm>> -> memref<26x4x128xf32, #tpu.memory_space<hbm>>
    %dma_start3A_33 = arith.constant 0 : i32
    %dma_start3A_34 = arith.constant 0 : i32
    %dma_start3A_35 = tpu.memref_slice %arg2[%dma_start3A_33, %add3A_29, %dma_start3A_34] : memref<26x4096x128xf32, #tpu.memory_space<hbm>> -> memref<26x4x128xf32, #tpu.memory_space<hbm>>
    tpu.enqueue_dma source(%dma_start3A_35 : memref<26x4x128xf32, #tpu.memory_space<hbm>>) target(%arg9 : memref<26x4x128xf32, #tpu.memory_space<vmem>>) target_semaphore(%arg17 : memref<!tpu.dma_semaphore, #tpu.memory_space<semaphore_mem>>)
    "tpu.region"() ({
      %run_scoped3A = tpu.sem_alloc : memref<!tpu.dma_semaphore, #tpu.memory_space<semaphore_mem>>
      tpu.enqueue_dma source(%arg3 : memref<3328xi32, #tpu.memory_space<hbm>>) target(%arg5 : memref<3328xi32, #tpu.memory_space<vmem>>) target_semaphore(%run_scoped3A : memref<!tpu.dma_semaphore, #tpu.memory_space<semaphore_mem>>)
      tpu.wait_dma2 semaphore(%run_scoped3A : memref<!tpu.dma_semaphore, #tpu.memory_space<semaphore_mem>>) src(%arg3 : memref<3328xi32, #tpu.memory_space<hbm>>) dst(%arg5 : memref<3328xi32, #tpu.memory_space<vmem>>)
      tpu.yield
    }) : () -> ()
    %scan3A = arith.constant 0 : i32
    %scan3A_36 = arith.constant 0 : i32
    %scan3A_37 = arith.constant 8 : i32
    %scan3A_38 = arith.addi %scan3A_36, %scan3A_37 : i32
    %scan3A_39 = arith.constant 1 : i32
    %scan3A_40 = scf.for %scan3A_57 = %scan3A_36 to %scan3A_38 step %scan3A_39 iter_args(%scan3A_58 = %scan3A) -> (i32)  : i32 {
      %mul3A_59 = arith.constant 4 : i32
      %mul3A_60 = arith.muli %mul3A_59, %scan3A_57 : i32
      %add3A_61 = arith.constant 0 : i32
      %add3A_62 = arith.addi %mul3A_60, %add3A_61 : i32
      %dma_wait3A_63 = arith.constant 0 : i32
      %dma_wait3A_64 = arith.constant 0 : i32
      %dma_wait3A_65 = arith.constant 0 : i32
      %dma_wait3A_66 = tpu.memref_slice %arg2[%dma_wait3A_63, %dma_wait3A_64, %dma_wait3A_65] : memref<26x4096x128xf32, #tpu.memory_space<hbm>> -> memref<26x4x128xf32, #tpu.memory_space<hbm>>
      %dma_wait3A_67 = arith.constant 0 : i32
      %dma_wait3A_68 = arith.constant 0 : i32
      %dma_wait3A_69 = arith.constant 0 : i32
      %dma_wait3A_70 = tpu.memref_slice %arg2[%dma_wait3A_67, %dma_wait3A_68, %dma_wait3A_69] : memref<26x4096x128xf32, #tpu.memory_space<hbm>> -> memref<26x4x128xf32, #tpu.memory_space<hbm>>
      tpu.wait_dma2 semaphore(%arg14 : memref<!tpu.dma_semaphore, #tpu.memory_space<semaphore_mem>>) src(%dma_wait3A_70 : memref<26x4x128xf32, #tpu.memory_space<hbm>>) dst(%arg6 : memref<26x4x128xf32, #tpu.memory_space<vmem>>)
      %gt3A = arith.constant 0 : i32
      %gt3A_71 = arith.cmpi sgt, %scan3A_57, %gt3A : i32
      %convert_element_type3A = arith.extui %gt3A_71 : i1 to i32
      %cond3A = arith.constant 0 : i32
      %cond3A_72 = arith.cmpi ne, %convert_element_type3A, %cond3A : i32
      scf.if %cond3A_72 {
        %dma_wait3A_183 = arith.constant 0 : i32
        %dma_wait3A_184 = tpu.memref_slice %arg4[%dma_wait3A_183] : memref<13631488xf32, #tpu.memory_space<hbm>> -> memref<13312xf32, #tpu.memory_space<hbm>>
        %dma_wait3A_185 = arith.constant 0 : i32
        %dma_wait3A_186 = tpu.memref_slice %arg4[%dma_wait3A_185] : memref<13631488xf32, #tpu.memory_space<hbm>> -> memref<13312xf32, #tpu.memory_space<hbm>>
        tpu.wait_dma2 semaphore(%arg18 : memref<!tpu.dma_semaphore, #tpu.memory_space<semaphore_mem>>) src(%arg10 : memref<13312xf32, #tpu.memory_space<vmem>>) dst(%dma_wait3A_186 : memref<13312xf32, #tpu.memory_space<hbm>>)
      } else {
      }
      %parallel_loop3A = arith.constant 0 : i32
      %parallel_loop3A_73 = arith.constant 208 : i32
      %parallel_loop3A_74 = arith.constant 1 : i32
      scf.for %parallel_loop3A_183 = %parallel_loop3A to %parallel_loop3A_73 step %parallel_loop3A_74  : i32 {
        %parallel_loop3A_184 = arith.constant 16 : i32
        %parallel_loop3A_185 = arith.muli %parallel_loop3A_183, %parallel_loop3A_184 : i32
        %parallel_loop3A_186 = arith.index_cast %parallel_loop3A_185 : i32 to index
        %parallel_loop3A_187 = tpu.vector_load %arg5[%parallel_loop3A_186] {strides = array<i32>} : memref<3328xi32, #tpu.memory_space<vmem>>, vector<16xi32>,
        %parallel_loop3A_188 = arith.constant 7 : i32
        %parallel_loop3A_189 = vector.broadcast %parallel_loop3A_188 : i32 to vector<16xi32>
        %parallel_loop3A_190 = arith.shrui %parallel_loop3A_187, %parallel_loop3A_189 : vector<16xi32>
        %parallel_loop3A_191 = arith.constant 127 : i32
        %parallel_loop3A_192 = vector.broadcast %parallel_loop3A_191 : i32 to vector<16xi32>
        %parallel_loop3A_193 = arith.andi %parallel_loop3A_187, %parallel_loop3A_192 : vector<16xi32>
        %parallel_loop3A_194 = arith.constant 0 : i32
        %parallel_loop3A_195 = vector.broadcast %parallel_loop3A_194 : i32 to vector<16xi32>
        %parallel_loop3A_196 = tpu.vector_load_idx %arg6[%parallel_loop3A_190, %parallel_loop3A_195, %parallel_loop3A_193] : memref<26x4x128xf32, #tpu.memory_space<vmem>>[vector<16xi32>, vector<16xi32>, vector<16xi32>], vector<16xf32>,
        %parallel_loop3A_197 = arith.constant 16 : i32
        %parallel_loop3A_198 = arith.muli %parallel_loop3A_183, %parallel_loop3A_197 : i32
        %parallel_loop3A_199 = arith.constant 0 : i32
        %parallel_loop3A_200 = arith.addi %parallel_loop3A_198, %parallel_loop3A_199 : i32
        %parallel_loop3A_201 = arith.index_cast %parallel_loop3A_200 : i32 to index
        %parallel_loop3A_202 = tpu.vector_load %arg10[%parallel_loop3A_201] {strides = array<i32>} : memref<13312xf32, #tpu.memory_space<vmem>>, vector<16xf32>,
        tpu.vector_store %arg10[%parallel_loop3A_201], %parallel_loop3A_196 {strides = array<i32>} : memref<13312xf32, #tpu.memory_space<vmem>>, vector<16xf32>,
        %parallel_loop3A_203 = arith.constant 1 : i32
        %parallel_loop3A_204 = vector.broadcast %parallel_loop3A_203 : i32 to vector<16xi32>
        %parallel_loop3A_205 = tpu.vector_load_idx %arg6[%parallel_loop3A_190, %parallel_loop3A_204, %parallel_loop3A_193] : memref<26x4x128xf32, #tpu.memory_space<vmem>>[vector<16xi32>, vector<16xi32>, vector<16xi32>], vector<16xf32>,
        %parallel_loop3A_206 = arith.constant 16 : i32
        %parallel_loop3A_207 = arith.muli %parallel_loop3A_183, %parallel_loop3A_206 : i32
        %parallel_loop3A_208 = arith.constant 3328 : i32
        %parallel_loop3A_209 = arith.addi %parallel_loop3A_207, %parallel_loop3A_208 : i32
        %parallel_loop3A_210 = arith.index_cast %parallel_loop3A_209 : i32 to index
        %parallel_loop3A_211 = tpu.vector_load %arg10[%parallel_loop3A_210] {strides = array<i32>} : memref<13312xf32, #tpu.memory_space<vmem>>, vector<16xf32>,
        tpu.vector_store %arg10[%parallel_loop3A_210], %parallel_loop3A_205 {strides = array<i32>} : memref<13312xf32, #tpu.memory_space<vmem>>, vector<16xf32>,
        %parallel_loop3A_212 = arith.constant 2 : i32
        %parallel_loop3A_213 = vector.broadcast %parallel_loop3A_212 : i32 to vector<16xi32>
        %parallel_loop3A_214 = tpu.vector_load_idx %arg6[%parallel_loop3A_190, %parallel_loop3A_213, %parallel_loop3A_193] : memref<26x4x128xf32, #tpu.memory_space<vmem>>[vector<16xi32>, vector<16xi32>, vector<16xi32>], vector<16xf32>,
        %parallel_loop3A_215 = arith.constant 16 : i32
        %parallel_loop3A_216 = arith.muli %parallel_loop3A_183, %parallel_loop3A_215 : i32
        %parallel_loop3A_217 = arith.constant 6656 : i32
        %parallel_loop3A_218 = arith.addi %parallel_loop3A_216, %parallel_loop3A_217 : i32
        %parallel_loop3A_219 = arith.index_cast %parallel_loop3A_218 : i32 to index
        %parallel_loop3A_220 = tpu.vector_load %arg10[%parallel_loop3A_219] {strides = array<i32>} : memref<13312xf32, #tpu.memory_space<vmem>>, vector<16xf32>,
        tpu.vector_store %arg10[%parallel_loop3A_219], %parallel_loop3A_214 {strides = array<i32>} : memref<13312xf32, #tpu.memory_space<vmem>>, vector<16xf32>,
        %parallel_loop3A_221 = arith.constant 3 : i32
        %parallel_loop3A_222 = vector.broadcast %parallel_loop3A_221 : i32 to vector<16xi32>
        %parallel_loop3A_223 = tpu.vector_load_idx %arg6[%parallel_loop3A_190, %parallel_loop3A_222, %parallel_loop3A_193] : memref<26x4x128xf32, #tpu.memory_space<vmem>>[vector<16xi32>, vector<16xi32>, vector<16xi32>], vector<16xf32>,
        %parallel_loop3A_224 = arith.constant 16 : i32
        %parallel_loop3A_225 = arith.muli %parallel_loop3A_183, %parallel_loop3A_224 : i32
        %parallel_loop3A_226 = arith.constant 9984 : i32
        %parallel_loop3A_227 = arith.addi %parallel_loop3A_225, %parallel_loop3A_226 : i32
        %parallel_loop3A_228 = arith.index_cast %parallel_loop3A_227 : i32 to index
        %parallel_loop3A_229 = tpu.vector_load %arg10[%parallel_loop3A_228] {strides = array<i32>} : memref<13312xf32, #tpu.memory_space<vmem>>, vector<16xf32>,
        tpu.vector_store %arg10[%parallel_loop3A_228], %parallel_loop3A_223 {strides = array<i32>} : memref<13312xf32, #tpu.memory_space<vmem>>, vector<16xf32>,
      } {sc.loop_unroll_factor = 4 : i64, sc.parallel_access}
      %mul3A_75 = arith.constant 13312 : i32
      %mul3A_76 = arith.muli %add3A_62, %mul3A_75 : i32
      %add3A_77 = arith.addi %mul3A_4, %mul3A_76 : i32
      %dma_start3A_78 = tpu.memref_slice %arg4[%add3A_77] : memref<13631488xf32, #tpu.memory_space<hbm>> -> memref<13312xf32, #tpu.memory_space<hbm>>
      %dma_start3A_79 = tpu.memref_slice %arg4[%add3A_77] : memref<13631488xf32, #tpu.memory_space<hbm>> -> memref<13312xf32, #tpu.memory_space<hbm>>
      tpu.enqueue_dma source(%arg10 : memref<13312xf32, #tpu.memory_space<vmem>>) target(%dma_start3A_79 : memref<13312xf32, #tpu.memory_space<hbm>>) target_semaphore(%arg18 : memref<!tpu.dma_semaphore, #tpu.memory_space<semaphore_mem>>)
      %add3A_80 = arith.constant 4 : i32
      %add3A_81 = arith.addi %add3A_62, %add3A_80 : i32
      %lt3A = arith.constant 32 : i32
      %lt3A_82 = arith.cmpi slt, %add3A_81, %lt3A : i32
      %convert_element_type3A_83 = arith.extui %lt3A_82 : i1 to i32
      %cond3A_84 = arith.constant 0 : i32
      %cond3A_85 = arith.cmpi ne, %convert_element_type3A_83, %cond3A_84 : i32
      scf.if %cond3A_85 {
        %add3A_183 = arith.constant 4 : i32
        %add3A_184 = arith.addi %add3A_62, %add3A_183 : i32
        %mul3A_185 = arith.constant 4 : i32
        %mul3A_186 = arith.muli %add3A_184, %mul3A_185 : i32
        %add3A_187 = arith.addi %mul3A_2, %mul3A_186 : i32
        %dma_start3A_188 = arith.constant 0 : i32
        %dma_start3A_189 = arith.constant 0 : i32
        %dma_start3A_190 = tpu.memref_slice %arg2[%dma_start3A_188, %add3A_187, %dma_start3A_189] : memref<26x4096x128xf32, #tpu.memory_space<hbm>> -> memref<26x4x128xf32, #tpu.memory_space<hbm>>
        %dma_start3A_191 = arith.constant 0 : i32
        %dma_start3A_192 = arith.constant 0 : i32
        %dma_start3A_193 = tpu.memref_slice %arg2[%dma_start3A_191, %add3A_187, %dma_start3A_192] : memref<26x4096x128xf32, #tpu.memory_space<hbm>> -> memref<26x4x128xf32, #tpu.memory_space<hbm>>
        tpu.enqueue_dma source(%dma_start3A_193 : memref<26x4x128xf32, #tpu.memory_space<hbm>>) target(%arg6 : memref<26x4x128xf32, #tpu.memory_space<vmem>>) target_semaphore(%arg14 : memref<!tpu.dma_semaphore, #tpu.memory_space<semaphore_mem>>)
      } else {
      }
      %mul3A_86 = arith.constant 4 : i32
      %mul3A_87 = arith.muli %mul3A_86, %scan3A_57 : i32
      %add3A_88 = arith.constant 1 : i32
      %add3A_89 = arith.addi %mul3A_87, %add3A_88 : i32
      %dma_wait3A_90 = arith.constant 0 : i32
      %dma_wait3A_91 = arith.constant 0 : i32
      %dma_wait3A_92 = arith.constant 0 : i32
      %dma_wait3A_93 = tpu.memref_slice %arg2[%dma_wait3A_90, %dma_wait3A_91, %dma_wait3A_92] : memref<26x4096x128xf32, #tpu.memory_space<hbm>> -> memref<26x4x128xf32, #tpu.memory_space<hbm>>
      %dma_wait3A_94 = arith.constant 0 : i32
      %dma_wait3A_95 = arith.constant 0 : i32
      %dma_wait3A_96 = arith.constant 0 : i32
      %dma_wait3A_97 = tpu.memref_slice %arg2[%dma_wait3A_94, %dma_wait3A_95, %dma_wait3A_96] : memref<26x4096x128xf32, #tpu.memory_space<hbm>> -> memref<26x4x128xf32, #tpu.memory_space<hbm>>
      tpu.wait_dma2 semaphore(%arg15 : memref<!tpu.dma_semaphore, #tpu.memory_space<semaphore_mem>>) src(%dma_wait3A_97 : memref<26x4x128xf32, #tpu.memory_space<hbm>>) dst(%arg7 : memref<26x4x128xf32, #tpu.memory_space<vmem>>)
      %gt3A_98 = arith.constant 0 : i32
      %gt3A_99 = arith.cmpi sgt, %scan3A_57, %gt3A_98 : i32
      %convert_element_type3A_100 = arith.extui %gt3A_99 : i1 to i32
      %cond3A_101 = arith.constant 0 : i32
      %cond3A_102 = arith.cmpi ne, %convert_element_type3A_100, %cond3A_101 : i32
      scf.if %cond3A_102 {
        %dma_wait3A_183 = arith.constant 0 : i32
        %dma_wait3A_184 = tpu.memref_slice %arg4[%dma_wait3A_183] : memref<13631488xf32, #tpu.memory_space<hbm>> -> memref<13312xf32, #tpu.memory_space<hbm>>
        %dma_wait3A_185 = arith.constant 0 : i32
        %dma_wait3A_186 = tpu.memref_slice %arg4[%dma_wait3A_185] : memref<13631488xf32, #tpu.memory_space<hbm>> -> memref<13312xf32, #tpu.memory_space<hbm>>
        tpu.wait_dma2 semaphore(%arg19 : memref<!tpu.dma_semaphore, #tpu.memory_space<semaphore_mem>>) src(%arg11 : memref<13312xf32, #tpu.memory_space<vmem>>) dst(%dma_wait3A_186 : memref<13312xf32, #tpu.memory_space<hbm>>)
      } else {
      }
      %parallel_loop3A_103 = arith.constant 0 : i32
      %parallel_loop3A_104 = arith.constant 208 : i32
      %parallel_loop3A_105 = arith.constant 1 : i32
      scf.for %parallel_loop3A_183 = %parallel_loop3A_103 to %parallel_loop3A_104 step %parallel_loop3A_105  : i32 {
        %parallel_loop3A_184 = arith.constant 16 : i32
        %parallel_loop3A_185 = arith.muli %parallel_loop3A_183, %parallel_loop3A_184 : i32
        %parallel_loop3A_186 = arith.index_cast %parallel_loop3A_185 : i32 to index
        %parallel_loop3A_187 = tpu.vector_load %arg5[%parallel_loop3A_186] {strides = array<i32>} : memref<3328xi32, #tpu.memory_space<vmem>>, vector<16xi32>,
        %parallel_loop3A_188 = arith.constant 7 : i32
        %parallel_loop3A_189 = vector.broadcast %parallel_loop3A_188 : i32 to vector<16xi32>
        %parallel_loop3A_190 = arith.shrui %parallel_loop3A_187, %parallel_loop3A_189 : vector<16xi32>
        %parallel_loop3A_191 = arith.constant 127 : i32
        %parallel_loop3A_192 = vector.broadcast %parallel_loop3A_191 : i32 to vector<16xi32>
        %parallel_loop3A_193 = arith.andi %parallel_loop3A_187, %parallel_loop3A_192 : vector<16xi32>
        %parallel_loop3A_194 = arith.constant 0 : i32
        %parallel_loop3A_195 = vector.broadcast %parallel_loop3A_194 : i32 to vector<16xi32>
        %parallel_loop3A_196 = tpu.vector_load_idx %arg7[%parallel_loop3A_190, %parallel_loop3A_195, %parallel_loop3A_193] : memref<26x4x128xf32, #tpu.memory_space<vmem>>[vector<16xi32>, vector<16xi32>, vector<16xi32>], vector<16xf32>,
        %parallel_loop3A_197 = arith.constant 16 : i32
        %parallel_loop3A_198 = arith.muli %parallel_loop3A_183, %parallel_loop3A_197 : i32
        %parallel_loop3A_199 = arith.constant 0 : i32
        %parallel_loop3A_200 = arith.addi %parallel_loop3A_198, %parallel_loop3A_199 : i32
        %parallel_loop3A_201 = arith.index_cast %parallel_loop3A_200 : i32 to index
        %parallel_loop3A_202 = tpu.vector_load %arg11[%parallel_loop3A_201] {strides = array<i32>} : memref<13312xf32, #tpu.memory_space<vmem>>, vector<16xf32>,
        tpu.vector_store %arg11[%parallel_loop3A_201], %parallel_loop3A_196 {strides = array<i32>} : memref<13312xf32, #tpu.memory_space<vmem>>, vector<16xf32>,
        %parallel_loop3A_203 = arith.constant 1 : i32
        %parallel_loop3A_204 = vector.broadcast %parallel_loop3A_203 : i32 to vector<16xi32>
        %parallel_loop3A_205 = tpu.vector_load_idx %arg7[%parallel_loop3A_190, %parallel_loop3A_204, %parallel_loop3A_193] : memref<26x4x128xf32, #tpu.memory_space<vmem>>[vector<16xi32>, vector<16xi32>, vector<16xi32>], vector<16xf32>,
        %parallel_loop3A_206 = arith.constant 16 : i32
        %parallel_loop3A_207 = arith.muli %parallel_loop3A_183, %parallel_loop3A_206 : i32
        %parallel_loop3A_208 = arith.constant 3328 : i32
        %parallel_loop3A_209 = arith.addi %parallel_loop3A_207, %parallel_loop3A_208 : i32
        %parallel_loop3A_210 = arith.index_cast %parallel_loop3A_209 : i32 to index
        %parallel_loop3A_211 = tpu.vector_load %arg11[%parallel_loop3A_210] {strides = array<i32>} : memref<13312xf32, #tpu.memory_space<vmem>>, vector<16xf32>,
        tpu.vector_store %arg11[%parallel_loop3A_210], %parallel_loop3A_205 {strides = array<i32>} : memref<13312xf32, #tpu.memory_space<vmem>>, vector<16xf32>,
        %parallel_loop3A_212 = arith.constant 2 : i32
        %parallel_loop3A_213 = vector.broadcast %parallel_loop3A_212 : i32 to vector<16xi32>
        %parallel_loop3A_214 = tpu.vector_load_idx %arg7[%parallel_loop3A_190, %parallel_loop3A_213, %parallel_loop3A_193] : memref<26x4x128xf32, #tpu.memory_space<vmem>>[vector<16xi32>, vector<16xi32>, vector<16xi32>], vector<16xf32>,
        %parallel_loop3A_215 = arith.constant 16 : i32
        %parallel_loop3A_216 = arith.muli %parallel_loop3A_183, %parallel_loop3A_215 : i32
        %parallel_loop3A_217 = arith.constant 6656 : i32
        %parallel_loop3A_218 = arith.addi %parallel_loop3A_216, %parallel_loop3A_217 : i32
        %parallel_loop3A_219 = arith.index_cast %parallel_loop3A_218 : i32 to index
        %parallel_loop3A_220 = tpu.vector_load %arg11[%parallel_loop3A_219] {strides = array<i32>} : memref<13312xf32, #tpu.memory_space<vmem>>, vector<16xf32>,
        tpu.vector_store %arg11[%parallel_loop3A_219], %parallel_loop3A_214 {strides = array<i32>} : memref<13312xf32, #tpu.memory_space<vmem>>, vector<16xf32>,
        %parallel_loop3A_221 = arith.constant 3 : i32
        %parallel_loop3A_222 = vector.broadcast %parallel_loop3A_221 : i32 to vector<16xi32>
        %parallel_loop3A_223 = tpu.vector_load_idx %arg7[%parallel_loop3A_190, %parallel_loop3A_222, %parallel_loop3A_193] : memref<26x4x128xf32, #tpu.memory_space<vmem>>[vector<16xi32>, vector<16xi32>, vector<16xi32>], vector<16xf32>,
        %parallel_loop3A_224 = arith.constant 16 : i32
        %parallel_loop3A_225 = arith.muli %parallel_loop3A_183, %parallel_loop3A_224 : i32
        %parallel_loop3A_226 = arith.constant 9984 : i32
        %parallel_loop3A_227 = arith.addi %parallel_loop3A_225, %parallel_loop3A_226 : i32
        %parallel_loop3A_228 = arith.index_cast %parallel_loop3A_227 : i32 to index
        %parallel_loop3A_229 = tpu.vector_load %arg11[%parallel_loop3A_228] {strides = array<i32>} : memref<13312xf32, #tpu.memory_space<vmem>>, vector<16xf32>,
        tpu.vector_store %arg11[%parallel_loop3A_228], %parallel_loop3A_223 {strides = array<i32>} : memref<13312xf32, #tpu.memory_space<vmem>>, vector<16xf32>,
      } {sc.loop_unroll_factor = 4 : i64, sc.parallel_access}
      %mul3A_106 = arith.constant 13312 : i32
      %mul3A_107 = arith.muli %add3A_89, %mul3A_106 : i32
      %add3A_108 = arith.addi %mul3A_4, %mul3A_107 : i32
      %dma_start3A_109 = tpu.memref_slice %arg4[%add3A_108] : memref<13631488xf32, #tpu.memory_space<hbm>> -> memref<13312xf32, #tpu.memory_space<hbm>>
      %dma_start3A_110 = tpu.memref_slice %arg4[%add3A_108] : memref<13631488xf32, #tpu.memory_space<hbm>> -> memref<13312xf32, #tpu.memory_space<hbm>>
      tpu.enqueue_dma source(%arg11 : memref<13312xf32, #tpu.memory_space<vmem>>) target(%dma_start3A_110 : memref<13312xf32, #tpu.memory_space<hbm>>) target_semaphore(%arg19 : memref<!tpu.dma_semaphore, #tpu.memory_space<semaphore_mem>>)
      %add3A_111 = arith.constant 4 : i32
      %add3A_112 = arith.addi %add3A_89, %add3A_111 : i32
      %lt3A_113 = arith.constant 32 : i32
      %lt3A_114 = arith.cmpi slt, %add3A_112, %lt3A_113 : i32
      %convert_element_type3A_115 = arith.extui %lt3A_114 : i1 to i32
      %cond3A_116 = arith.constant 0 : i32
      %cond3A_117 = arith.cmpi ne, %convert_element_type3A_115, %cond3A_116 : i32
      scf.if %cond3A_117 {
        %add3A_183 = arith.constant 4 : i32
        %add3A_184 = arith.addi %add3A_89, %add3A_183 : i32
        %mul3A_185 = arith.constant 4 : i32
        %mul3A_186 = arith.muli %add3A_184, %mul3A_185 : i32
        %add3A_187 = arith.addi %mul3A_2, %mul3A_186 : i32
        %dma_start3A_188 = arith.constant 0 : i32
        %dma_start3A_189 = arith.constant 0 : i32
        %dma_start3A_190 = tpu.memref_slice %arg2[%dma_start3A_188, %add3A_187, %dma_start3A_189] : memref<26x4096x128xf32, #tpu.memory_space<hbm>> -> memref<26x4x128xf32, #tpu.memory_space<hbm>>
        %dma_start3A_191 = arith.constant 0 : i32
        %dma_start3A_192 = arith.constant 0 : i32
        %dma_start3A_193 = tpu.memref_slice %arg2[%dma_start3A_191, %add3A_187, %dma_start3A_192] : memref<26x4096x128xf32, #tpu.memory_space<hbm>> -> memref<26x4x128xf32, #tpu.memory_space<hbm>>
        tpu.enqueue_dma source(%dma_start3A_193 : memref<26x4x128xf32, #tpu.memory_space<hbm>>) target(%arg7 : memref<26x4x128xf32, #tpu.memory_space<vmem>>) target_semaphore(%arg15 : memref<!tpu.dma_semaphore, #tpu.memory_space<semaphore_mem>>)
      } else {
      }
      %mul3A_118 = arith.constant 4 : i32
      %mul3A_119 = arith.muli %mul3A_118, %scan3A_57 : i32
      %add3A_120 = arith.constant 2 : i32
      %add3A_121 = arith.addi %mul3A_119, %add3A_120 : i32
      %dma_wait3A_122 = arith.constant 0 : i32
      %dma_wait3A_123 = arith.constant 0 : i32
      %dma_wait3A_124 = arith.constant 0 : i32
      %dma_wait3A_125 = tpu.memref_slice %arg2[%dma_wait3A_122, %dma_wait3A_123, %dma_wait3A_124] : memref<26x4096x128xf32, #tpu.memory_space<hbm>> -> memref<26x4x128xf32, #tpu.memory_space<hbm>>
      %dma_wait3A_126 = arith.constant 0 : i32
      %dma_wait3A_127 = arith.constant 0 : i32
      %dma_wait3A_128 = arith.constant 0 : i32
      %dma_wait3A_129 = tpu.memref_slice %arg2[%dma_wait3A_126, %dma_wait3A_127, %dma_wait3A_128] : memref<26x4096x128xf32, #tpu.memory_space<hbm>> -> memref<26x4x128xf32, #tpu.memory_space<hbm>>
      tpu.wait_dma2 semaphore(%arg16 : memref<!tpu.dma_semaphore, #tpu.memory_space<semaphore_mem>>) src(%dma_wait3A_129 : memref<26x4x128xf32, #tpu.memory_space<hbm>>) dst(%arg8 : memref<26x4x128xf32, #tpu.memory_space<vmem>>)
      %gt3A_130 = arith.constant 0 : i32
      %gt3A_131 = arith.cmpi sgt, %scan3A_57, %gt3A_130 : i32
      %convert_element_type3A_132 = arith.extui %gt3A_131 : i1 to i32
      %cond3A_133 = arith.constant 0 : i32
      %cond3A_134 = arith.cmpi ne, %convert_element_type3A_132, %cond3A_133 : i32
      scf.if %cond3A_134 {
        %dma_wait3A_183 = arith.constant 0 : i32
        %dma_wait3A_184 = tpu.memref_slice %arg4[%dma_wait3A_183] : memref<13631488xf32, #tpu.memory_space<hbm>> -> memref<13312xf32, #tpu.memory_space<hbm>>
        %dma_wait3A_185 = arith.constant 0 : i32
        %dma_wait3A_186 = tpu.memref_slice %arg4[%dma_wait3A_185] : memref<13631488xf32, #tpu.memory_space<hbm>> -> memref<13312xf32, #tpu.memory_space<hbm>>
        tpu.wait_dma2 semaphore(%arg20 : memref<!tpu.dma_semaphore, #tpu.memory_space<semaphore_mem>>) src(%arg12 : memref<13312xf32, #tpu.memory_space<vmem>>) dst(%dma_wait3A_186 : memref<13312xf32, #tpu.memory_space<hbm>>)
      } else {
      }
      %parallel_loop3A_135 = arith.constant 0 : i32
      %parallel_loop3A_136 = arith.constant 208 : i32
      %parallel_loop3A_137 = arith.constant 1 : i32
      scf.for %parallel_loop3A_183 = %parallel_loop3A_135 to %parallel_loop3A_136 step %parallel_loop3A_137  : i32 {
        %parallel_loop3A_184 = arith.constant 16 : i32
        %parallel_loop3A_185 = arith.muli %parallel_loop3A_183, %parallel_loop3A_184 : i32
        %parallel_loop3A_186 = arith.index_cast %parallel_loop3A_185 : i32 to index
        %parallel_loop3A_187 = tpu.vector_load %arg5[%parallel_loop3A_186] {strides = array<i32>} : memref<3328xi32, #tpu.memory_space<vmem>>, vector<16xi32>,
        %parallel_loop3A_188 = arith.constant 7 : i32
        %parallel_loop3A_189 = vector.broadcast %parallel_loop3A_188 : i32 to vector<16xi32>
        %parallel_loop3A_190 = arith.shrui %parallel_loop3A_187, %parallel_loop3A_189 : vector<16xi32>
        %parallel_loop3A_191 = arith.constant 127 : i32
        %parallel_loop3A_192 = vector.broadcast %parallel_loop3A_191 : i32 to vector<16xi32>
        %parallel_loop3A_193 = arith.andi %parallel_loop3A_187, %parallel_loop3A_192 : vector<16xi32>
        %parallel_loop3A_194 = arith.constant 0 : i32
        %parallel_loop3A_195 = vector.broadcast %parallel_loop3A_194 : i32 to vector<16xi32>
        %parallel_loop3A_196 = tpu.vector_load_idx %arg8[%parallel_loop3A_190, %parallel_loop3A_195, %parallel_loop3A_193] : memref<26x4x128xf32, #tpu.memory_space<vmem>>[vector<16xi32>, vector<16xi32>, vector<16xi32>], vector<16xf32>,
        %parallel_loop3A_197 = arith.constant 16 : i32
        %parallel_loop3A_198 = arith.muli %parallel_loop3A_183, %parallel_loop3A_197 : i32
        %parallel_loop3A_199 = arith.constant 0 : i32
        %parallel_loop3A_200 = arith.addi %parallel_loop3A_198, %parallel_loop3A_199 : i32
        %parallel_loop3A_201 = arith.index_cast %parallel_loop3A_200 : i32 to index
        %parallel_loop3A_202 = tpu.vector_load %arg12[%parallel_loop3A_201] {strides = array<i32>} : memref<13312xf32, #tpu.memory_space<vmem>>, vector<16xf32>,
        tpu.vector_store %arg12[%parallel_loop3A_201], %parallel_loop3A_196 {strides = array<i32>} : memref<13312xf32, #tpu.memory_space<vmem>>, vector<16xf32>,
        %parallel_loop3A_203 = arith.constant 1 : i32
        %parallel_loop3A_204 = vector.broadcast %parallel_loop3A_203 : i32 to vector<16xi32>
        %parallel_loop3A_205 = tpu.vector_load_idx %arg8[%parallel_loop3A_190, %parallel_loop3A_204, %parallel_loop3A_193] : memref<26x4x128xf32, #tpu.memory_space<vmem>>[vector<16xi32>, vector<16xi32>, vector<16xi32>], vector<16xf32>,
        %parallel_loop3A_206 = arith.constant 16 : i32
        %parallel_loop3A_207 = arith.muli %parallel_loop3A_183, %parallel_loop3A_206 : i32
        %parallel_loop3A_208 = arith.constant 3328 : i32
        %parallel_loop3A_209 = arith.addi %parallel_loop3A_207, %parallel_loop3A_208 : i32
        %parallel_loop3A_210 = arith.index_cast %parallel_loop3A_209 : i32 to index
        %parallel_loop3A_211 = tpu.vector_load %arg12[%parallel_loop3A_210] {strides = array<i32>} : memref<13312xf32, #tpu.memory_space<vmem>>, vector<16xf32>,
        tpu.vector_store %arg12[%parallel_loop3A_210], %parallel_loop3A_205 {strides = array<i32>} : memref<13312xf32, #tpu.memory_space<vmem>>, vector<16xf32>,
        %parallel_loop3A_212 = arith.constant 2 : i32
        %parallel_loop3A_213 = vector.broadcast %parallel_loop3A_212 : i32 to vector<16xi32>
        %parallel_loop3A_214 = tpu.vector_load_idx %arg8[%parallel_loop3A_190, %parallel_loop3A_213, %parallel_loop3A_193] : memref<26x4x128xf32, #tpu.memory_space<vmem>>[vector<16xi32>, vector<16xi32>, vector<16xi32>], vector<16xf32>,
        %parallel_loop3A_215 = arith.constant 16 : i32
        %parallel_loop3A_216 = arith.muli %parallel_loop3A_183, %parallel_loop3A_215 : i32
        %parallel_loop3A_217 = arith.constant 6656 : i32
        %parallel_loop3A_218 = arith.addi %parallel_loop3A_216, %parallel_loop3A_217 : i32
        %parallel_loop3A_219 = arith.index_cast %parallel_loop3A_218 : i32 to index
        %parallel_loop3A_220 = tpu.vector_load %arg12[%parallel_loop3A_219] {strides = array<i32>} : memref<13312xf32, #tpu.memory_space<vmem>>, vector<16xf32>,
        tpu.vector_store %arg12[%parallel_loop3A_219], %parallel_loop3A_214 {strides = array<i32>} : memref<13312xf32, #tpu.memory_space<vmem>>, vector<16xf32>,
        %parallel_loop3A_221 = arith.constant 3 : i32
        %parallel_loop3A_222 = vector.broadcast %parallel_loop3A_221 : i32 to vector<16xi32>
        %parallel_loop3A_223 = tpu.vector_load_idx %arg8[%parallel_loop3A_190, %parallel_loop3A_222, %parallel_loop3A_193] : memref<26x4x128xf32, #tpu.memory_space<vmem>>[vector<16xi32>, vector<16xi32>, vector<16xi32>], vector<16xf32>,
        %parallel_loop3A_224 = arith.constant 16 : i32
        %parallel_loop3A_225 = arith.muli %parallel_loop3A_183, %parallel_loop3A_224 : i32
        %parallel_loop3A_226 = arith.constant 9984 : i32
        %parallel_loop3A_227 = arith.addi %parallel_loop3A_225, %parallel_loop3A_226 : i32
        %parallel_loop3A_228 = arith.index_cast %parallel_loop3A_227 : i32 to index
        %parallel_loop3A_229 = tpu.vector_load %arg12[%parallel_loop3A_228] {strides = array<i32>} : memref<13312xf32, #tpu.memory_space<vmem>>, vector<16xf32>,
        tpu.vector_store %arg12[%parallel_loop3A_228], %parallel_loop3A_223 {strides = array<i32>} : memref<13312xf32, #tpu.memory_space<vmem>>, vector<16xf32>,
      } {sc.loop_unroll_factor = 4 : i64, sc.parallel_access}
      %mul3A_138 = arith.constant 13312 : i32
      %mul3A_139 = arith.muli %add3A_121, %mul3A_138 : i32
      %add3A_140 = arith.addi %mul3A_4, %mul3A_139 : i32
      %dma_start3A_141 = tpu.memref_slice %arg4[%add3A_140] : memref<13631488xf32, #tpu.memory_space<hbm>> -> memref<13312xf32, #tpu.memory_space<hbm>>
      %dma_start3A_142 = tpu.memref_slice %arg4[%add3A_140] : memref<13631488xf32, #tpu.memory_space<hbm>> -> memref<13312xf32, #tpu.memory_space<hbm>>
      tpu.enqueue_dma source(%arg12 : memref<13312xf32, #tpu.memory_space<vmem>>) target(%dma_start3A_142 : memref<13312xf32, #tpu.memory_space<hbm>>) target_semaphore(%arg20 : memref<!tpu.dma_semaphore, #tpu.memory_space<semaphore_mem>>)
      %add3A_143 = arith.constant 4 : i32
      %add3A_144 = arith.addi %add3A_121, %add3A_143 : i32
      %lt3A_145 = arith.constant 32 : i32
      %lt3A_146 = arith.cmpi slt, %add3A_144, %lt3A_145 : i32
      %convert_element_type3A_147 = arith.extui %lt3A_146 : i1 to i32
      %cond3A_148 = arith.constant 0 : i32
      %cond3A_149 = arith.cmpi ne, %convert_element_type3A_147, %cond3A_148 : i32
      scf.if %cond3A_149 {
        %add3A_183 = arith.constant 4 : i32
        %add3A_184 = arith.addi %add3A_121, %add3A_183 : i32
        %mul3A_185 = arith.constant 4 : i32
        %mul3A_186 = arith.muli %add3A_184, %mul3A_185 : i32
        %add3A_187 = arith.addi %mul3A_2, %mul3A_186 : i32
        %dma_start3A_188 = arith.constant 0 : i32
        %dma_start3A_189 = arith.constant 0 : i32
        %dma_start3A_190 = tpu.memref_slice %arg2[%dma_start3A_188, %add3A_187, %dma_start3A_189] : memref<26x4096x128xf32, #tpu.memory_space<hbm>> -> memref<26x4x128xf32, #tpu.memory_space<hbm>>
        %dma_start3A_191 = arith.constant 0 : i32
        %dma_start3A_192 = arith.constant 0 : i32
        %dma_start3A_193 = tpu.memref_slice %arg2[%dma_start3A_191, %add3A_187, %dma_start3A_192] : memref<26x4096x128xf32, #tpu.memory_space<hbm>> -> memref<26x4x128xf32, #tpu.memory_space<hbm>>
        tpu.enqueue_dma source(%dma_start3A_193 : memref<26x4x128xf32, #tpu.memory_space<hbm>>) target(%arg8 : memref<26x4x128xf32, #tpu.memory_space<vmem>>) target_semaphore(%arg16 : memref<!tpu.dma_semaphore, #tpu.memory_space<semaphore_mem>>)
      } else {
      }
      %mul3A_150 = arith.constant 4 : i32
      %mul3A_151 = arith.muli %mul3A_150, %scan3A_57 : i32
      %add3A_152 = arith.constant 3 : i32
      %add3A_153 = arith.addi %mul3A_151, %add3A_152 : i32
      %dma_wait3A_154 = arith.constant 0 : i32
      %dma_wait3A_155 = arith.constant 0 : i32
      %dma_wait3A_156 = arith.constant 0 : i32
      %dma_wait3A_157 = tpu.memref_slice %arg2[%dma_wait3A_154, %dma_wait3A_155, %dma_wait3A_156] : memref<26x4096x128xf32, #tpu.memory_space<hbm>> -> memref<26x4x128xf32, #tpu.memory_space<hbm>>
      %dma_wait3A_158 = arith.constant 0 : i32
      %dma_wait3A_159 = arith.constant 0 : i32
      %dma_wait3A_160 = arith.constant 0 : i32
      %dma_wait3A_161 = tpu.memref_slice %arg2[%dma_wait3A_158, %dma_wait3A_159, %dma_wait3A_160] : memref<26x4096x128xf32, #tpu.memory_space<hbm>> -> memref<26x4x128xf32, #tpu.memory_space<hbm>>
      tpu.wait_dma2 semaphore(%arg17 : memref<!tpu.dma_semaphore, #tpu.memory_space<semaphore_mem>>) src(%dma_wait3A_161 : memref<26x4x128xf32, #tpu.memory_space<hbm>>) dst(%arg9 : memref<26x4x128xf32, #tpu.memory_space<vmem>>)
      %gt3A_162 = arith.constant 0 : i32
      %gt3A_163 = arith.cmpi sgt, %scan3A_57, %gt3A_162 : i32
      %convert_element_type3A_164 = arith.extui %gt3A_163 : i1 to i32
      %cond3A_165 = arith.constant 0 : i32
      %cond3A_166 = arith.cmpi ne, %convert_element_type3A_164, %cond3A_165 : i32
      scf.if %cond3A_166 {
        %dma_wait3A_183 = arith.constant 0 : i32
        %dma_wait3A_184 = tpu.memref_slice %arg4[%dma_wait3A_183] : memref<13631488xf32, #tpu.memory_space<hbm>> -> memref<13312xf32, #tpu.memory_space<hbm>>
        %dma_wait3A_185 = arith.constant 0 : i32
        %dma_wait3A_186 = tpu.memref_slice %arg4[%dma_wait3A_185] : memref<13631488xf32, #tpu.memory_space<hbm>> -> memref<13312xf32, #tpu.memory_space<hbm>>
        tpu.wait_dma2 semaphore(%arg21 : memref<!tpu.dma_semaphore, #tpu.memory_space<semaphore_mem>>) src(%arg13 : memref<13312xf32, #tpu.memory_space<vmem>>) dst(%dma_wait3A_186 : memref<13312xf32, #tpu.memory_space<hbm>>)
      } else {
      }
      %parallel_loop3A_167 = arith.constant 0 : i32
      %parallel_loop3A_168 = arith.constant 208 : i32
      %parallel_loop3A_169 = arith.constant 1 : i32
      scf.for %parallel_loop3A_183 = %parallel_loop3A_167 to %parallel_loop3A_168 step %parallel_loop3A_169  : i32 {
        %parallel_loop3A_184 = arith.constant 16 : i32
        %parallel_loop3A_185 = arith.muli %parallel_loop3A_183, %parallel_loop3A_184 : i32
        %parallel_loop3A_186 = arith.index_cast %parallel_loop3A_185 : i32 to index
        %parallel_loop3A_187 = tpu.vector_load %arg5[%parallel_loop3A_186] {strides = array<i32>} : memref<3328xi32, #tpu.memory_space<vmem>>, vector<16xi32>,
        %parallel_loop3A_188 = arith.constant 7 : i32
        %parallel_loop3A_189 = vector.broadcast %parallel_loop3A_188 : i32 to vector<16xi32>
        %parallel_loop3A_190 = arith.shrui %parallel_loop3A_187, %parallel_loop3A_189 : vector<16xi32>
        %parallel_loop3A_191 = arith.constant 127 : i32
        %parallel_loop3A_192 = vector.broadcast %parallel_loop3A_191 : i32 to vector<16xi32>
        %parallel_loop3A_193 = arith.andi %parallel_loop3A_187, %parallel_loop3A_192 : vector<16xi32>
        %parallel_loop3A_194 = arith.constant 0 : i32
        %parallel_loop3A_195 = vector.broadcast %parallel_loop3A_194 : i32 to vector<16xi32>
        %parallel_loop3A_196 = tpu.vector_load_idx %arg9[%parallel_loop3A_190, %parallel_loop3A_195, %parallel_loop3A_193] : memref<26x4x128xf32, #tpu.memory_space<vmem>>[vector<16xi32>, vector<16xi32>, vector<16xi32>], vector<16xf32>,
        %parallel_loop3A_197 = arith.constant 16 : i32
        %parallel_loop3A_198 = arith.muli %parallel_loop3A_183, %parallel_loop3A_197 : i32
        %parallel_loop3A_199 = arith.constant 0 : i32
        %parallel_loop3A_200 = arith.addi %parallel_loop3A_198, %parallel_loop3A_199 : i32
        %parallel_loop3A_201 = arith.index_cast %parallel_loop3A_200 : i32 to index
        %parallel_loop3A_202 = tpu.vector_load %arg13[%parallel_loop3A_201] {strides = array<i32>} : memref<13312xf32, #tpu.memory_space<vmem>>, vector<16xf32>,
        tpu.vector_store %arg13[%parallel_loop3A_201], %parallel_loop3A_196 {strides = array<i32>} : memref<13312xf32, #tpu.memory_space<vmem>>, vector<16xf32>,
        %parallel_loop3A_203 = arith.constant 1 : i32
        %parallel_loop3A_204 = vector.broadcast %parallel_loop3A_203 : i32 to vector<16xi32>
        %parallel_loop3A_205 = tpu.vector_load_idx %arg9[%parallel_loop3A_190, %parallel_loop3A_204, %parallel_loop3A_193] : memref<26x4x128xf32, #tpu.memory_space<vmem>>[vector<16xi32>, vector<16xi32>, vector<16xi32>], vector<16xf32>,
        %parallel_loop3A_206 = arith.constant 16 : i32
        %parallel_loop3A_207 = arith.muli %parallel_loop3A_183, %parallel_loop3A_206 : i32
        %parallel_loop3A_208 = arith.constant 3328 : i32
        %parallel_loop3A_209 = arith.addi %parallel_loop3A_207, %parallel_loop3A_208 : i32
        %parallel_loop3A_210 = arith.index_cast %parallel_loop3A_209 : i32 to index
        %parallel_loop3A_211 = tpu.vector_load %arg13[%parallel_loop3A_210] {strides = array<i32>} : memref<13312xf32, #tpu.memory_space<vmem>>, vector<16xf32>,
        tpu.vector_store %arg13[%parallel_loop3A_210], %parallel_loop3A_205 {strides = array<i32>} : memref<13312xf32, #tpu.memory_space<vmem>>, vector<16xf32>,
        %parallel_loop3A_212 = arith.constant 2 : i32
        %parallel_loop3A_213 = vector.broadcast %parallel_loop3A_212 : i32 to vector<16xi32>
        %parallel_loop3A_214 = tpu.vector_load_idx %arg9[%parallel_loop3A_190, %parallel_loop3A_213, %parallel_loop3A_193] : memref<26x4x128xf32, #tpu.memory_space<vmem>>[vector<16xi32>, vector<16xi32>, vector<16xi32>], vector<16xf32>,
        %parallel_loop3A_215 = arith.constant 16 : i32
        %parallel_loop3A_216 = arith.muli %parallel_loop3A_183, %parallel_loop3A_215 : i32
        %parallel_loop3A_217 = arith.constant 6656 : i32
        %parallel_loop3A_218 = arith.addi %parallel_loop3A_216, %parallel_loop3A_217 : i32
        %parallel_loop3A_219 = arith.index_cast %parallel_loop3A_218 : i32 to index
        %parallel_loop3A_220 = tpu.vector_load %arg13[%parallel_loop3A_219] {strides = array<i32>} : memref<13312xf32, #tpu.memory_space<vmem>>, vector<16xf32>,
        tpu.vector_store %arg13[%parallel_loop3A_219], %parallel_loop3A_214 {strides = array<i32>} : memref<13312xf32, #tpu.memory_space<vmem>>, vector<16xf32>,
        %parallel_loop3A_221 = arith.constant 3 : i32
        %parallel_loop3A_222 = vector.broadcast %parallel_loop3A_221 : i32 to vector<16xi32>
        %parallel_loop3A_223 = tpu.vector_load_idx %arg9[%parallel_loop3A_190, %parallel_loop3A_222, %parallel_loop3A_193] : memref<26x4x128xf32, #tpu.memory_space<vmem>>[vector<16xi32>, vector<16xi32>, vector<16xi32>], vector<16xf32>,
        %parallel_loop3A_224 = arith.constant 16 : i32
        %parallel_loop3A_225 = arith.muli %parallel_loop3A_183, %parallel_loop3A_224 : i32
        %parallel_loop3A_226 = arith.constant 9984 : i32
        %parallel_loop3A_227 = arith.addi %parallel_loop3A_225, %parallel_loop3A_226 : i32
        %parallel_loop3A_228 = arith.index_cast %parallel_loop3A_227 : i32 to index
        %parallel_loop3A_229 = tpu.vector_load %arg13[%parallel_loop3A_228] {strides = array<i32>} : memref<13312xf32, #tpu.memory_space<vmem>>, vector<16xf32>,
        tpu.vector_store %arg13[%parallel_loop3A_228], %parallel_loop3A_223 {strides = array<i32>} : memref<13312xf32, #tpu.memory_space<vmem>>, vector<16xf32>,
      } {sc.loop_unroll_factor = 4 : i64, sc.parallel_access}
      %mul3A_170 = arith.constant 13312 : i32
      %mul3A_171 = arith.muli %add3A_153, %mul3A_170 : i32
      %add3A_172 = arith.addi %mul3A_4, %mul3A_171 : i32
      %dma_start3A_173 = tpu.memref_slice %arg4[%add3A_172] : memref<13631488xf32, #tpu.memory_space<hbm>> -> memref<13312xf32, #tpu.memory_space<hbm>>
      %dma_start3A_174 = tpu.memref_slice %arg4[%add3A_172] : memref<13631488xf32, #tpu.memory_space<hbm>> -> memref<13312xf32, #tpu.memory_space<hbm>>
      tpu.enqueue_dma source(%arg13 : memref<13312xf32, #tpu.memory_space<vmem>>) target(%dma_start3A_174 : memref<13312xf32, #tpu.memory_space<hbm>>) target_semaphore(%arg21 : memref<!tpu.dma_semaphore, #tpu.memory_space<semaphore_mem>>)
      %add3A_175 = arith.constant 4 : i32
      %add3A_176 = arith.addi %add3A_153, %add3A_175 : i32
      %lt3A_177 = arith.constant 32 : i32
      %lt3A_178 = arith.cmpi slt, %add3A_176, %lt3A_177 : i32
      %convert_element_type3A_179 = arith.extui %lt3A_178 : i1 to i32
      %cond3A_180 = arith.constant 0 : i32
      %cond3A_181 = arith.cmpi ne, %convert_element_type3A_179, %cond3A_180 : i32
      scf.if %cond3A_181 {
        %add3A_183 = arith.constant 4 : i32
        %add3A_184 = arith.addi %add3A_153, %add3A_183 : i32
        %mul3A_185 = arith.constant 4 : i32
        %mul3A_186 = arith.muli %add3A_184, %mul3A_185 : i32
        %add3A_187 = arith.addi %mul3A_2, %mul3A_186 : i32
        %dma_start3A_188 = arith.constant 0 : i32
        %dma_start3A_189 = arith.constant 0 : i32
        %dma_start3A_190 = tpu.memref_slice %arg2[%dma_start3A_188, %add3A_187, %dma_start3A_189] : memref<26x4096x128xf32, #tpu.memory_space<hbm>> -> memref<26x4x128xf32, #tpu.memory_space<hbm>>
        %dma_start3A_191 = arith.constant 0 : i32
        %dma_start3A_192 = arith.constant 0 : i32
        %dma_start3A_193 = tpu.memref_slice %arg2[%dma_start3A_191, %add3A_187, %dma_start3A_192] : memref<26x4096x128xf32, #tpu.memory_space<hbm>> -> memref<26x4x128xf32, #tpu.memory_space<hbm>>
        tpu.enqueue_dma source(%dma_start3A_193 : memref<26x4x128xf32, #tpu.memory_space<hbm>>) target(%arg9 : memref<26x4x128xf32, #tpu.memory_space<vmem>>) target_semaphore(%arg17 : memref<!tpu.dma_semaphore, #tpu.memory_space<semaphore_mem>>)
      } else {
      }
      %scan3A_182 = arith.constant 0 : i32
      scf.yield %scan3A_182 : i32
    }
    %scan3A_41 = arith.constant 8 : i32
    %dma_wait3A = arith.constant 0 : i32
    %dma_wait3A_42 = tpu.memref_slice %arg4[%dma_wait3A] : memref<13631488xf32, #tpu.memory_space<hbm>> -> memref<13312xf32, #tpu.memory_space<hbm>>
    %dma_wait3A_43 = arith.constant 0 : i32
    %dma_wait3A_44 = tpu.memref_slice %arg4[%dma_wait3A_43] : memref<13631488xf32, #tpu.memory_space<hbm>> -> memref<13312xf32, #tpu.memory_space<hbm>>
    tpu.wait_dma2 semaphore(%arg18 : memref<!tpu.dma_semaphore, #tpu.memory_space<semaphore_mem>>) src(%arg10 : memref<13312xf32, #tpu.memory_space<vmem>>) dst(%dma_wait3A_44 : memref<13312xf32, #tpu.memory_space<hbm>>)
    %dma_wait3A_45 = arith.constant 0 : i32
    %dma_wait3A_46 = tpu.memref_slice %arg4[%dma_wait3A_45] : memref<13631488xf32, #tpu.memory_space<hbm>> -> memref<13312xf32, #tpu.memory_space<hbm>>
    %dma_wait3A_47 = arith.constant 0 : i32
    %dma_wait3A_48 = tpu.memref_slice %arg4[%dma_wait3A_47] : memref<13631488xf32, #tpu.memory_space<hbm>> -> memref<13312xf32, #tpu.memory_space<hbm>>
    tpu.wait_dma2 semaphore(%arg19 : memref<!tpu.dma_semaphore, #tpu.memory_space<semaphore_mem>>) src(%arg11 : memref<13312xf32, #tpu.memory_space<vmem>>) dst(%dma_wait3A_48 : memref<13312xf32, #tpu.memory_space<hbm>>)
    %dma_wait3A_49 = arith.constant 0 : i32
    %dma_wait3A_50 = tpu.memref_slice %arg4[%dma_wait3A_49] : memref<13631488xf32, #tpu.memory_space<hbm>> -> memref<13312xf32, #tpu.memory_space<hbm>>
    %dma_wait3A_51 = arith.constant 0 : i32
    %dma_wait3A_52 = tpu.memref_slice %arg4[%dma_wait3A_51] : memref<13631488xf32, #tpu.memory_space<hbm>> -> memref<13312xf32, #tpu.memory_space<hbm>>
    tpu.wait_dma2 semaphore(%arg20 : memref<!tpu.dma_semaphore, #tpu.memory_space<semaphore_mem>>) src(%arg12 : memref<13312xf32, #tpu.memory_space<vmem>>) dst(%dma_wait3A_52 : memref<13312xf32, #tpu.memory_space<hbm>>)
    %dma_wait3A_53 = arith.constant 0 : i32
    %dma_wait3A_54 = tpu.memref_slice %arg4[%dma_wait3A_53] : memref<13631488xf32, #tpu.memory_space<hbm>> -> memref<13312xf32, #tpu.memory_space<hbm>>
    %dma_wait3A_55 = arith.constant 0 : i32
    %dma_wait3A_56 = tpu.memref_slice %arg4[%dma_wait3A_55] : memref<13631488xf32, #tpu.memory_space<hbm>> -> memref<13312xf32, #tpu.memory_space<hbm>>
    tpu.wait_dma2 semaphore(%arg21 : memref<!tpu.dma_semaphore, #tpu.memory_space<semaphore_mem>>) src(%arg13 : memref<13312xf32, #tpu.memory_space<vmem>>) dst(%dma_wait3A_56 : memref<13312xf32, #tpu.memory_space<hbm>>)
    return
  }
}

</mosaic_0001>

<sc_bundles>
// kernel: _run.3.cloned.1.call-start
scs
__scs_entry_jumppad:
0x0: {  	(pc) =	sbr.rel $0x88, $3  }
0x1: {  	(tag) =	ssettag $0x0;
	lr =	simm.s32 $0x1  }
0x2: {  	[smem:$0x3F9F] =	sst lr;
	_ =	strace $0xD0000000  }
0x3: {  	_ = 	snop  }
0x4: {  	_ = 	snop  }
0x5: {  	_ = 	snop  }
0x6: {  	_ = 	snop  }
0x7: {  	_ = 	snop  }
__scs_overlays_trampoline_lowered:
0x8: {  	[smem:$0x3FAE] =	sst s0  }
0x9: {  	[smem:$0x3FAF] =	sst s1  }
0xa: {  	[smem:$0x3FB0] =	sst s2  }
0xb: {  	[smem:$0x3FB1] =	sst s3  }
0xc: {  	[smem:$0x3FB2] =	sst s4  }
0xd: {  	[smem:$0x3FB3] =	sst s5  }
0xe: {  	[smem:$0x3FB4] =	sst s6  }
0xf: {  	[smem:$0x3FB5] =	sst s7  }
0x10: {  	[smem:$0x3FB6] =	sst s8  }
0x11: {  	[smem:$0x3FB7] =	sst s9;
	s0 =	simm.s32 @!p0 $0x0  }
0x12: {  	s1 =	sld [smem:$0x3F9D];
	s0 =	simm.s32 @p0 $0x1  }
0x13: {  	[smem:$0x3FB8] =	sst s0;
	s0 =	simm.s32 @!p1 $0x0  }
0x14: {  	s2 =	sld [smem:$0x3F9C];
	s0 =	simm.s32 @p1 $0x1  }
0x15: {  	[smem:$0x3FB9] =	sst s0;
	s0 =	simm.s32 @!p2 $0x0  }
0x16: {  	s3 =	sld [smem:$0x3FDB];
	s0 =	simm.s32 @p2 $0x1  }
0x17: {  	s4 =	simm.s32 $0x1BF5;
	[smem:$0x3FBB] =	sst s0  }
0x18: {  	s0 =	sld [smem:$0x3F9E];
	_ =	swait.ge [sflag:s4], $0x0  }
0x19: {  	s7 =	sld [smem:$0x3F9F]  }
0x1a: {  	s8 =	sadd.s32 $0xFFFFE003, lr  }
0x1b: {  	s9 =	sadd.s32 $0xFFFFFEF7, lr;
	s5 =	simm.s32 $0xFFFFFFFF;
	p2 =	slt.u32 s8, $0xFFFFF086  }
0x1c: {  	p1 =	slt.u32 s9, $0xF7A;
	s5 =	simm.s32 @!p2 $0x0  }
0x1d: {  	s5 =	simm.s32 @p1 $0x1;
	p0 =	seq.s32 s7, s2  }
0x1e: {  	s7 =	smul.u32 @!p0 $0xF7A, s2;
	p2 =	seq.s32 @!p0 s5, $0x0  }
0x1f: {  	s9 =	smul.u32 $0xF7A, s1;
	s8 =	simm.s32 @!p0 $0x1BF5;
	p2 =	por !p2, p0  }
0x20: {  	[sflag:s8] =	ssyncset.s32 @!p0 $0xFFFFF086;
	s6 =	sadd.s32 @!p0 s3, s7;
	s7 =	simm.s32 @!p0 $0x108  }
0x21: {  	s3 =	sadd.s32 s3, s9;
	s6 =	sadd.s32 @!p0 $0x88, s6;
	s7 =	simm.s32 @p2 $0x1082  }
0x22: {  	[simem:s7], [sflag:s8] =	dma.local @!p0 [hbm:s6], $0xF7A  }
0x23: {  	s9 =	sor.u32 $0xD0000000, s2;
	s6 =	simm.s32 $0x108;
	_ =	swait.ge @!p0 [sflag:s8], $0x0  }
0x24: {  	s3 =	sadd.s32 $0x88, s3;
	s6 =	simm.s32 @!p1 $0x1082;
	[sflag:s4] =	ssyncset.s32 $0xFFFFF086  }
0x25: {  	[simem:s6], [sflag:s4] =	dma.local [hbm:s3], $0xF7A  }
0x26: {  	[smem:$0x3F9F] =	sst s1;
	(tag) =	ssettag s2;
	_ =	strace s9  }
0x27: {  	s1 =	sld [smem:$0x3FAF]  }
0x28: {  	s2 =	sld [smem:$0x3FB0]  }
0x29: {  	s4 =	sld [smem:$0x3FB2]  }
0x2a: {  	p0 =	seq.s32 s5, $0x0;
	s5 =	sld [smem:$0x3FB3]  }
0x2b: {  	s6 =	sld [smem:$0x3FB4]  }
0x2c: {  	s7 =	sld [smem:$0x3FB5]  }
0x2d: {  	s3 =	simm.s32 $0x108;
	s8 =	sld [smem:$0x3FB6]  }
0x2e: {  	s3 =	simm.s32 @!p0 $0x1082;
	s9 =	sld [smem:$0x3FB7]  }
0x2f: {  	lr =	sadd.s32 s0, s3;
	s0 =	sld [smem:$0x3FAE]  }
0x30: {  	s3 =	sld [smem:$0x3FB1]  }
0x31: {  	[smem:$0x3FBA] =	sst s10  }
0x32: {  	s10 =	sld [smem:$0x3FB8];
	_ =	sdelay $0x3  }
0x33: {  	p0 =	seq.s32 s10, $0x1;
	s10 =	sld [smem:$0x3FBA];
	_ =	sdelay $0x3  }
0x34: {  	[smem:$0x3FBA] =	sst s10  }
0x35: {  	s10 =	sld [smem:$0x3FB9];
	_ =	sdelay $0x3  }
0x36: {  	p1 =	seq.s32 s10, $0x1;
	s10 =	sld [smem:$0x3FBA];
	_ =	sdelay $0x3  }
0x37: {  	[smem:$0x3FBA] =	sst s10  }
0x38: {  	s10 =	sld [smem:$0x3FBB]  }
0x39: {  	_ = 	snop;
	(pc) =	sbr.ind lr, $3  }
0x3a: {  	_ = 	snop  }
0x3b: {  	_ = 	snop  }
0x3c: {  	p2 =	seq.s32 s10, $0x1;
	s10 =	sld [smem:$0x3FBA]  }
0x3d: {  	_ =	shalt  }
0x3e: {  	_ =	shalt  }
0x3f: {  	_ =	shalt  }
0x40: {  	_ =	shalt  }
0x41: {  	_ =	shalt  }
0x42: {  	_ =	shalt  }
0x43: {  	_ =	shalt  }
0x44: {  	_ =	shalt  }
0x45: {  	_ =	shalt  }
0x46: {  	_ =	shalt  }
0x47: {  	_ =	shalt  }
0x48: {  	_ =	shalt  }
0x49: {  	_ =	shalt  }
0x4a: {  	_ =	shalt  }
0x4b: {  	_ =	shalt  }
0x4c: {  	_ =	shalt  }
0x4d: {  	_ =	shalt  }
0x4e: {  	_ =	shalt  }
0x4f: {  	_ =	shalt  }
0x50: {  	_ =	shalt  }
0x51: {  	_ =	shalt  }
0x52: {  	_ =	shalt  }
0x53: {  	_ =	shalt  }
0x54: {  	_ =	shalt  }
0x55: {  	_ =	shalt  }
0x56: {  	_ =	shalt  }
0x57: {  	_ =	shalt  }
0x58: {  	_ =	shalt  }
0x59: {  	_ =	shalt  }
0x5a: {  	_ =	shalt  }
0x5b: {  	_ =	shalt  }
0x5c: {  	_ =	shalt  }
0x5d: {  	_ =	shalt  }
0x5e: {  	_ =	shalt  }
0x5f: {  	_ =	shalt  }
0x60: {  	_ =	shalt  }
0x61: {  	_ =	shalt  }
0x62: {  	_ =	shalt  }
0x63: {  	_ =	shalt  }
0x64: {  	_ =	shalt  }
0x65: {  	_ =	shalt  }
0x66: {  	_ =	shalt  }
0x67: {  	_ =	shalt  }
0x68: {  	_ =	shalt  }
0x69: {  	_ =	shalt  }
0x6a: {  	_ =	shalt  }
0x6b: {  	_ =	shalt  }
0x6c: {  	_ =	shalt  }
0x6d: {  	_ =	shalt  }
0x6e: {  	_ =	shalt  }
0x6f: {  	_ =	shalt  }
0x70: {  	_ =	shalt  }
0x71: {  	_ =	shalt  }
0x72: {  	_ =	shalt  }
0x73: {  	_ =	shalt  }
0x74: {  	_ =	shalt  }
0x75: {  	_ =	shalt  }
0x76: {  	_ =	shalt  }
0x77: {  	_ =	shalt  }
0x78: {  	_ =	shalt  }
0x79: {  	_ =	shalt  }
0x7a: {  	_ =	shalt  }
0x7b: {  	_ =	shalt  }
0x7c: {  	_ =	shalt  }
0x7d: {  	_ =	shalt  }
0x7e: {  	_ =	shalt  }
0x7f: {  	_ =	shalt  }
0x80: {  	_ =	shalt  }
0x81: {  	_ =	shalt  }
0x82: {  	_ =	shalt  }
0x83: {  	_ =	shalt  }
0x84: {  	_ =	shalt  }
0x85: {  	_ =	shalt  }
0x86: {  	_ =	shalt  }
0x87: {  	_ =	shalt  }
.Lfunc_end0:
.L_simem_size_0:
called_computation_lowered:
.L_overlay_start_0:
0x88: {  	s2 =	sld [smem:$0x3FD9]  }
0x89: {  	s3 =	sld [smem:$0x3FFE];
	_ =	sdelay $0x1  }
0x8a: {  	s1 =	srdreg.scid  }
0x8b: {  	s0 =	sand.u32 $0x1, s1  }
0x8c: {  	s18 =	sshll.u32 s0, $0xA;
	s2 =	sadd.s32 s3, s2  }
0x8d: {  	s2 =	sadd.s32 s2, s18  }
0x8e: {  	[smem:$0x3FC6] =	sst s2  }
0x8f: {  	_ = 	snop  }
0x90: {  	s2 =	sld [smem:$0x3FC9]  }
0x91: {  	s19 =	sld [smem:$0x3FC8]  }
0x92: {  	s4 =	sld [smem:$0x3FD0];
	(tm) =	ssettm $0x1  }
0x93: {  	s5 =	sld [smem:$0x3FFB];
	_ =	sdelay $0x3  }
0x94: {  	_ =	strace s5  }
0x95: {  	s5 =	sld [smem:$0x3FFC];
	_ =	sdelay $0x3  }
0x96: {  	_ =	strace s5  }
0x97: {  	s5 =	sld [smem:$0x3FFD];
	_ =	sdelay $0x3  }
0x98: {  	_ =	strace s5  }
0x99: {  	_ =	strace $0x8FFFFFFF  }
0x9a: {  	s20 =	sld [smem:$0x3FDB];
	_ =	sdelay $0x1  }
0x9b: {  	s6 =	simm.s32 $_scs_section_size  }
0x9c: {  	s7 =	simm.s32 $_size__tile_overlayer_lowered;
	s8 =	simm.s32 $_tile_overlayer_lowered  }
0x9d: {  	s23 =	simm.s32 $0x1BFF;
	s22 =	sshll.u32 s8, $0x1;
	s5 =	sadd.s32 s6, s20  }
0x9e: {  	s9 =	simm.s32 $0x0;
	s21 =	sshll.u32 s7, $0x1;
	s7 =	sadd.s32 s22, s5  }
0x9f: {  	[timem:s9], [sflag:s23] =	dma.local [hbm:s7], s21  }
0xa0: {  	_ =	swait.ge [sflag:s23], s21  }
0xa1: {  	s6 =	ssub.s32 $0x0, s21;
	[sflag:s23] =	ssyncset.done $0x0  }
0xa2: {  	[sflag:s23] =	ssyncadd.s32 s6;
	_ =	sdelay $0x1  }
0xa3: {  	s24 =	simm.s32 $0x1B8B  }
0xa4: {  	_ =	swait.ge [sflag:s24], $0x1  }
0xa5: {  	[sflag:s24] =	ssyncset.done $0x0  }
0xa6: {  	s25 =	simm.s32 $0x1B8E;
	[sflag:s24] =	ssyncadd.s32 $0xFFFFFFFF  }
0xa7: {  	s26 =	simm.s32 $execute0_lowered;
	[smem:$0x3FD2] =	sst s25  }
0xa8: {  	s6 =	sshll.u32 s26, $0x1;
	_ =	strace $0x80000046;
	[dreg:$0x1] =	wrdreg $0xFFFFFFFF  }
0xa9: {  	s28 =	simm.s32 $_size_execute0_lowered;
	s5 =	sadd.s32 s5, s6;
	[dreg:$0x0] =	wrdreg $0x0  }
0xaa: {  	s6 =	sshll.u32 s28, $0x1;
	[dreg:$0x2] =	wrdreg s5  }
0xab: {  	[dreg:$0x3] =	wrdreg s6  }
0xac: {  	[dreg:$0x4] =	wrdreg $0xC0  }
0xad: {  	_ =	task [dreg:s9], $0x5FFFF  }
0xae: {  	[dreg:$0x1] =	wrdreg $0xFFFFFFFF  }
0xaf: {  	[dreg:$0x0] =	wrdreg $0x60  }
0xb0: {  	[dreg:$0x2] =	wrdreg s2  }
0xb1: {  	[dreg:$0x3] =	wrdreg s19  }
0xb2: {  	[dreg:$0x4] =	wrdreg s4  }
0xb3: {  	[dreg:$0x5] =	wrdreg $0x9  }
0xb4: {  	_ =	task.clear_ibuf [dreg:s9], $0x6FFFF;
	_ =	strace $0x90000046  }
0xb5: {  	s29 =	simm.s32 $0x9;
	_ =	strace $0x80000048  }
0xb6: {  	_ =	swait.ge [sflag:s29], $0x1  }
0xb7: {  	[sflag:s29] =	ssyncadd.s32 $0xFFFFFFFF  }
0xb8: {  	_ =	strace $0x90000048  }
0xb9: {  	_ =	sfence  }
0xba: {  	s30 =	sld [smem:$0x0];
	_ =	sdelay $0x2  }
0xbb: {  	s31 =	sshll.u32 s1, $0xD;
	s1 =	sshrl.u32 s1, $0x2  }
0xbc: {  	s3 =	sand.u32 $0x4000, s31;
	s1 =	sadd.s32 s1, s30  }
0xbd: {  	s0 =	sor.u32 s3, s0;
	s1 =	sshll.u32 s1, $0x11  }
0xbe: {  	s0 =	sor.u32 s1, s0  }
0xbf: {  	s0 =	sadd.s32 $0x8F2B, s0  }
0xc0: {  	[sflag:s0] =	ssyncadd.remote.s32 $0x1  }
0xc1: {  	_ =	sfence.sel $0xFFFF  }
0xc2: {  	[dreg:$0x0] =	wrdreg $0xFFFFFFFF;
	(pc) =	sbr.abs _section_cstart, $3  }
0xc3: {  	[dreg:$0x1] =	wrdreg $0xFFFFFFFF  }
0xc4: {  	_ =	task.clear_ibuf [dreg:s9], $0x2FFFF;
	_ =	strace $0x9FFFFFFF  }
0xc5: {  	(tm) =	ssettm $0x7FFFFFFF  }
tec
execute0_lowered:
.L_overlay_start_1:
0x0: {  	(tag) =	ssettag $0x1  }
0x1: {  	s0 =	rddreg [dreg:$0x0]  }
0x2: {  	s1 =	srdreg.scid;
	s2 =	stileid.u32  }
0x3: {  	s3 =	rddreg [dreg:$0x2];
	s4 =	simm.s32 $0x0;
	s18 =	simm.s32 $0x200  }
0x4: {  	s19 =	simm.s32 $0x80000;
	s20 =	simm.s32 $0xD00;
	s28 =	simm.s32 $0x2  }
0x5: {  	s29 =	simm.s32 $0x6;
	s31 =	simm.s32 $0x3;
	s7 =	simm.s32 $0x8  }
0x6: {  	s8 =	simm.s32 $0x17900;
	s1 =	sand.u32 $0x1, s1;
	s2 =	sshll.u32 s2, $0x1  }
0x7: {  	[smem:$0x7FF] =	sst s4;
	s2 =	sor.u32 s1, s2;
	s1 =	ssub.s32 $0x2, s1  }
0x8: {  	_ =	strace $0x80000047;
	s5 =	sshll.u32 s2, $0xB;
	s6 =	sshrl.u32 s1, $0x1  }
0x9: {  	s5 =	sadd.s32 s0, s5;
	s21 =	ssub.s32 s1, s6;
	s6 =	smul.u32 $0x68000, s2  }
0xa: {  	s1 =	simm.s32 $0x7;
	s22 =	sadd.s32 $0x40, s5;
	[dreg:$0x4] =	wrdreg s5  }
0xb: {  	s2 =	simm.s32 $0x4;
	s23 =	sadd.s32 $0x80, s5;
	[dreg:$0x5] =	wrdreg s22  }
0xc: {  	s24 =	sadd.s32 $0xC0, s5;
	s25 =	sadd.s32 $0x100, s5;
	[dreg:$0x6] =	wrdreg s23  }
0xd: {  	s26 =	sadd.s32 $0x140, s5;
	s30 =	sadd.s32 $0x180, s5;
	[dreg:$0x7] =	wrdreg s24  }
.Ltmp0:
0xe: {  	s16 =	sadd.s32 $0x1C0, s5;
	[dreg:$0x8] =	wrdreg s25;
	(pc) =	sbr.rel .LBB2_1-.Ltmp0, $4  }
0xf: {  	s0 =	smax.u32 s21, $0x1;
	s21 =	simm.s32 $0x4100;
	[dreg:$0x9] =	wrdreg s26  }
0x10: {  	s5 =	simm.s32 $0x0;
	s11 =	sor.u32 $0x3400, s6;
	[dreg:$0xa] =	wrdreg s30  }
0x11: {  	s13 =	sor.u32 $0x6800, s6;
	s15 =	sadd.s32 $0x9C00, s6;
	[dreg:$0xb] =	wrdreg s0  }
0x12: {  	s22 =	simm.s32 $0x7500;
	s23 =	simm.s32 $0xA900;
	s25 =	simm.s32 $0x1  }
.LBB2_24:
0x13: {  	s0 =	simm.s32 $0x5  }
0x14: {  	_ =	swait.ge [sflag:s0], $0x3400  }
0x15: {  	[sflag:s0] =	ssyncset.done $0x0  }
0x16: {  	[sflag:s0] =	ssyncadd.s32 $0xFFFFCC00  }
0x17: {  	_ =	swait.ge [sflag:s29], $0x3400  }
0x18: {  	[sflag:s29] =	ssyncset.done $0x0  }
0x19: {  	[sflag:s29] =	ssyncadd.s32 $0xFFFFCC00  }
0x1a: {  	_ =	swait.ge [sflag:s1], $0x3400  }
0x1b: {  	[sflag:s1] =	ssyncset.done $0x0  }
0x1c: {  	[sflag:s1] =	ssyncadd.s32 $0xFFFFCC00  }
0x1d: {  	_ =	swait.ge [sflag:s7], $0x3400  }
0x1e: {  	s5 =	rddreg [dreg:$0xc]  }
0x1f: {  	s30 =	rddreg [dreg:$0xb];
	s5 =	sadd.s32 $0x1, s5  }
0x20: {  	p0 =	sne.s32 s5, s30  }
.Ltmp1:
0x21: {  	_ = 	snop;
	(pc) =	sbr.rel @!p0 .LBB2_25-.Ltmp1, $3  }
0x22: {  	_ =	sdelay $0x1  }
0x23: {  	[sflag:s7] =	ssyncset.done $0x0  }
0x24: {  	[sflag:s7] =	ssyncadd.s32 $0xFFFFCC00  }
.LBB2_1:
0x25: {  	[dreg:$0xc] =	wrdreg s5  }
0x26: {  	s0 =	rddreg [dreg:$0x4]  }
0x27: {  	[tilespmem:s20], [sflag:$0x1] =	stream.strided.gather [hbm4b:s0+s18], $0x3400, s19, s18, $0x38;
	[tilespmem:$0x1AD00] =	vst v63  }
0x28: {  	s14 =	rddreg [dreg:$0x5]  }
0x29: {  	[tilespmem:s21], [sflag:$0x2] =	stream.strided.gather [hbm4b:s14+s18], $0x3400, s19, s18, $0x38;
	[tilespmem:$0x1AD00] =	vst v63  }
0x2a: {  	s17 =	rddreg [dreg:$0x6]  }
0x2b: {  	[tilespmem:s22], [sflag:$0x3] =	stream.strided.gather [hbm4b:s17+s18], $0x3400, s19, s18, $0x38;
	[tilespmem:$0x1AD00] =	vst v63  }
0x2c: {  	s24 =	rddreg [dreg:$0x7]  }
0x2d: {  	[tilespmem:s23], [sflag:$0x4] =	stream.strided.gather [hbm4b:s24+s18], $0x3400, s19, s18, $0x38;
	[tilespmem:$0x1AD00] =	vst v63  }
0x2e: {  	s26 =	rddreg [dreg:$0x1];
	s30 =	simm.s32 $0x9  }
0x2f: {  	[tilespmem:s4], [sflag:$0x9] =	stream.linear.gather [hbm4b:s26+s4], $0xD00, $0x38;
	[tilespmem:$0x1AD00] =	vst v63  }
0x30: {  	_ =	swait.ge [sflag:s30], $0xD00  }
0x31: {  	[sflag:s30] =	ssyncset.done $0x0  }
0x32: {  	s5 =	simm.s32 $0x0;
	[sflag:s30] =	ssyncadd.s32 $0xFFFFF300  }
.LBB2_2:
0x33: {  	_ =	swait.ge [sflag:s25], $0x3400  }
0x34: {  	p0 =	seq.s32 s5, $0x0;
	[sflag:s25] =	ssyncset.done $0x0  }
0x35: {  	s9 =	simm.s32 @!p0 $0x5;
	[sflag:s25] =	ssyncadd.s32 $0xFFFFCC00  }
0x36: {  	_ =	swait.ge @!p0 [sflag:s9], $0x3400  }
0x37: {  	[sflag:s9] =	ssyncset.done @!p0 $0x0  }
0x38: {  	s30 =	simm.s32 $0x20;
	[sflag:s9] =	ssyncadd.s32 @!p0 $0xFFFFCC00  }
0x39: {  	v0 =	vld [tilespmem:s30+$0x10];
	_ =	sdelay $0x1  }
0x3a: {  	v1 =	vld [tilespmem:s30+$0xFFFFFFF0]  }
0x3b: {  	v2 =	vld [tilespmem:s30+$0xFFFFFFE0]  }
0x3c: {  	v3 =	vld [tilespmem:s30+$0x0]  }
0x3d: {  	v4 =	vshll.u32 v0, $0x2  }
0x3e: {  	v0 =	vand.u32 $0x7F, v0;
	v4 =	vand.u32 $0xFFFFFE00, v4  }
0x3f: {  	v4 =	vor.u32 v0, v4  }
0x40: {  	v5 =	vshll.u32 v1, $0x2  }
0x41: {  	v6 =	vshll.u32 v3, $0x2;
	v1 =	vand.u32 $0x7F, v1;
	v0 =	vshll.u32 v2, $0x2  }
0x42: {  	v3 =	vand.u32 $0x7F, v3;
	v2 =	vand.u32 $0x7F, v2;
	v0 =	vand.u32 $0xFFFFFE00, v0  }
0x43: {  	v5 =	vand.u32 $0xFFFFFE00, v5;
	v2 =	vor.u32 v2, v0;
	v0 =	vand.u32 $0xFFFFFE00, v6  }
0x44: {  	v1 =	vor.u32 v1, v5;
	v5 =	vor.u32 v3, v0;
	v0 =	vld.idx.msk [tilespmem:v4+s20+$0x0], $0xffff  }
0x45: {  	s10 =	simm.s32 $0x60;
	v3 =	vor.u32 $0x80, v4  }
0x46: {  	v10 =	vld [tilespmem:s10+$0xFFFFFFF0]  }
0x47: {  	v13 =	vld [tilespmem:s10+$0xFFFFFFE0]  }
0x48: {  	s9 =	simm.s32 $0xDD00;
	v6 =	vld.idx.msk [tilespmem:v2+s20+$0x0], $0xffff  }
0x49: {  	v9 =	vor.u32 $0x80, v2;
	[tilespmem:s9+$0x30] =	vst v0;
	v0 =	vld [tilespmem:s10+$0x10]  }
0x4a: {  	v3 =	vld.idx.msk [tilespmem:v3+s20+$0x0], $0xffff  }
0x4b: {  	v11 =	vor.u32 $0x100, v4;
	v7 =	vld.idx.msk [tilespmem:v1+s20+$0x0], $0xffff  }
0x4c: {  	v12 =	vor.u32 $0x80, v1;
	v8 =	vld.idx.msk [tilespmem:v5+s20+$0x0], $0xffff  }
0x4d: {  	[tilespmem:s9+$0x0] =	vst v6;
	v6 =	vld [tilespmem:s10+$0x0]  }
0x4e: {  	v14 =	vor.u32 $0x80, v5;
	v9 =	vld.idx.msk [tilespmem:v9+s20+$0x0], $0xffff;
	v15 =	vshll.u32 v0, $0x2  }
0x4f: {  	v16 =	vor.u32 $0x100, v2;
	v0 =	vand.u32 $0x7F, v0;
	[tilespmem:s9+$0xD30] =	vst v3;
	v3 =	vand.u32 $0xFFFFFE00, v15  }
0x50: {  	v4 =	vor.u32 $0x180, v4;
	[tilespmem:s9+$0x10] =	vst v7;
	v7 =	vld.idx.msk [tilespmem:v11+s20+$0x0], $0xffff;
	v0 =	vor.u32 v0, v3  }
0x51: {  	s10 =	simm.s32 $0x0;
	v15 =	vor.u32 $0x100, v1;
	v3 =	vld.idx.msk [tilespmem:v12+s20+$0x0], $0xffff;
	v11 =	vshll.u32 v10, $0x2;
	v12 =	vshll.u32 v13, $0x2  }
0x52: {  	[tilespmem:s9+$0x20] =	vst v8;
	s17 =	sand.u32 $0xFC0, s10;
	v8 =	vand.u32 $0xFFFFFE00, v11;
	v11 =	vand.u32 $0x7F, v13;
	v12 =	vand.u32 $0xFFFFFE00, v12  }
0x53: {  	v14 =	vld.idx.msk [tilespmem:v14+s20+$0x0], $0xffff;
	v10 =	vand.u32 $0x7F, v10;
	v13 =	vshll.u32 v6, $0x2;
	[tilespmem:s17+$0xEA00] =	vst v9;
	v18 =	vor.u32 v11, v12  }
0x54: {  	v6 =	vand.u32 $0x7F, v6;
	v9 =	vand.u32 $0xFFFFFE00, v13;
	v8 =	vor.u32 v10, v8;
	v11 =	vld.idx.msk [tilespmem:v16+s20+$0x0], $0xffff  }
0x55: {  	v19 =	vor.u32 v6, v9;
	v6 =	vld.idx.msk [tilespmem:v0+s20+$0x0], $0xffff;
	[tilespmem:s9+$0x1A30] =	vst v7  }
0x56: {  	v7 =	vor.u32 $0x100, v5;
	[tilespmem:s9+$0xD10] =	vst v3;
	v20 =	vld.idx.msk [tilespmem:v4+s20+$0x0], $0xffff  }
0x57: {  	v21 =	vor.u32 $0x80, v0;
	v13 =	vld.idx.msk [tilespmem:v15+s20+$0x0], $0xffff  }
0x58: {  	v15 =	vld.idx.msk [tilespmem:v18+s20+$0x0], $0xffff  }
0x59: {  	v1 =	vor.u32 $0x180, v1;
	[tilespmem:s9+$0xD20] =	vst v14;
	v12 =	vor.u32 $0x80, v18;
	v10 =	vor.u32 $0x80, v8;
	v16 =	vld.idx.msk [tilespmem:v8+s20+$0x0], $0xffff  }
0x5a: {  	s12 =	simm.s32 $0xDD40;
	v9 =	vor.u32 $0x180, v18;
	v3 =	vor.u32 $0x180, v2;
	v2 =	vor.u32 $0x180, v5;
	[tilespmem:s17+$0xF700] =	vst v11;
	v17 =	vld.idx.msk [tilespmem:v19+s20+$0x0], $0xffff  }
0x5b: {  	v5 =	vor.u32 $0x100, v18;
	v4 =	vor.u32 $0x100, v8;
	v11 =	vor.u32 $0x80, v19;
	[tilespmem:s12+$0x30] =	vst v6;
	v14 =	vld.idx.msk [tilespmem:v7+s20+$0x0], $0xffff  }
0x5c: {  	s24 =	sshll.u32 s5, $0x8;
	s14 =	simm.s32 $0x4;
	s26 =	simm.s32 $0xA0;
	v8 =	vor.u32 $0x180, v8;
	v6 =	vor.u32 $0x100, v19;
	v7 =	vor.u32 $0x180, v19;
	v18 =	vld.idx.msk [tilespmem:v21+s20+$0x0], $0xffff;
	[tilespmem:s9+$0x2730] =	vst v20  }
.LBB2_3:
0x5d: {  	v19 =	vld [tilespmem:s26+$0x10];
	s14 =	sadd.s32 $0x4, s14;
	[tilespmem:s9+$0x1A10] =	vst v13  }
0x5e: {  	v13 =	vld [tilespmem:s26+$0xFFFFFFF0];
	p1 =	slt.u32 s14, $0xCC;
	[tilespmem:s12+$0x0] =	vst v15;
	v15 =	vor.u32 $0x100, v0  }
0x5f: {  	v20 =	vld [tilespmem:s26+$0x0];
	[tilespmem:s12+$0x10] =	vst v16  }
0x60: {  	v16 =	vld [tilespmem:s26+$0xFFFFFFE0];
	[tilespmem:s12+$0x20] =	vst v17  }
0x61: {  	v12 =	vld.idx.msk [tilespmem:v12+s20+$0x0], $0xffff;
	[tilespmem:s9+$0x1A20] =	vst v14  }
0x62: {  	v14 =	vshll.u32 v19, $0x2;
	v17 =	vld.idx.msk [tilespmem:v10+s20+$0x0], $0xffff;
	[tilespmem:s12+$0xD30] =	vst v18  }
0x63: {  	v18 =	vand.u32 $0x7F, v19;
	v10 =	vshll.u32 v13, $0x2;
	v14 =	vand.u32 $0xFFFFFE00, v14;
	v15 =	vld.idx.msk [tilespmem:v15+s20+$0x0], $0xffff  }
0x64: {  	v10 =	vand.u32 $0xFFFFFE00, v10;
	v19 =	vshll.u32 v20, $0x2;
	v14 =	vor.u32 v18, v14;
	v18 =	vld.idx.msk [tilespmem:v11+s20+$0x0], $0xffff  }
0x65: {  	v21 =	vor.u32 $0x180, v0;
	s10 =	sadd.s32 $0x40, s10;
	v11 =	vshll.u32 v16, $0x2;
	v19 =	vand.u32 $0xFFFFFE00, v19;
	v22 =	vld.idx.msk [tilespmem:v3+s20+$0x0], $0xffff;
	v0 =	vmovc v14;
	v3 =	vmovc v9  }
0x66: {  	s30 =	sand.u32 $0xFC0, s10;
	v13 =	vand.u32 $0x7F, v13;
	v9 =	vand.u32 $0x7F, v16;
	v11 =	vand.u32 $0xFFFFFE00, v11;
	v16 =	vld.idx.msk [tilespmem:v1+s20+$0x0], $0xffff;
	v1 =	vmovc v8  }
0x67: {  	v24 =	vor.u32 v13, v10;
	v8 =	vand.u32 $0x7F, v20;
	v23 =	vor.u32 v9, v11;
	[tilespmem:s30+$0xEA00] =	vst v12;
	v20 =	vld.idx.msk [tilespmem:v2+s20+$0x0], $0xffff  }
0x68: {  	v10 =	vor.u32 $0x80, v24;
	v19 =	vor.u32 v8, v19;
	v2 =	vmovc v7;
	v12 =	vor.u32 $0x80, v23;
	v25 =	vld.idx.msk [tilespmem:v5+s20+$0x0], $0xffff;
	[tilespmem:s12+$0xD10] =	vst v17  }
0x69: {  	v5 =	vor.u32 $0x100, v23;
	v17 =	vor.u32 $0x100, v24;
	v11 =	vor.u32 $0x80, v19;
	v14 =	vld.idx.msk [tilespmem:v14+s20+$0x0], $0xffff;
	[tilespmem:s12+$0x1A30] =	vst v15  }
0x6a: {  	v8 =	vor.u32 $0x180, v24;
	v9 =	vor.u32 $0x180, v23;
	v26 =	vor.u32 $0x100, v19;
	[tilespmem:s12+$0xD20] =	vst v18;
	v21 =	vld.idx.msk [tilespmem:v21+s20+$0x0], $0xffff  }
0x6b: {  	v7 =	vor.u32 $0x180, v19;
	v18 =	vor.u32 $0x80, v0;
	v13 =	vld.idx.msk [tilespmem:v4+s20+$0x0], $0xffff;
	[tilespmem:s17+$0x10400] =	vst v22;
	v4 =	vmov v17;
	s17 =	smov.u32 s30  }
.Ltmp2:
0x6c: {  	v15 =	vld.idx.msk [tilespmem:v23+s20+$0x0], $0xffff;
	[tilespmem:s9+$0x2710] =	vst v16;
	(pc) =	sbr.rel @p1 .LBB2_3-.Ltmp2, $4  }
0x6d: {  	v16 =	vld.idx.msk [tilespmem:v24+s20+$0x0], $0xffff;
	[tilespmem:s9+$0x2720] =	vst v20;
	s9 =	smov.u32 s12  }
0x6e: {  	s12 =	sadd.s32 $0x40, s12;
	v17 =	vld.idx.msk [tilespmem:v19+s20+$0x0], $0xffff;
	[tilespmem:s17+$0xF700] =	vst v25  }
0x6f: {  	[tilespmem:s12+$0x30] =	vst v14;
	v14 =	vld.idx.msk [tilespmem:v6+s20+$0x0], $0xffff;
	v6 =	vmov v26  }
0x70: {  	s26 =	sadd.s32 $0x40, s26;
	v18 =	vld.idx.msk [tilespmem:v18+s20+$0x0], $0xffff;
	[tilespmem:s9+$0x2730] =	vst v21  }
0x71: {  	_ =	sdelay $0x2  }
0x72: {  	[tilespmem:s12+$0x0] =	vst v15  }
0x73: {  	v59 =	vor.u32 $0x100, v0;
	[tilespmem:s12+$0x10] =	vst v16;
	v12 =	vld.idx.msk [tilespmem:v12+s20+$0x0], $0xffff  }
0x74: {  	[tilespmem:s12+$0x20] =	vst v17;
	v10 =	vld.idx.msk [tilespmem:v10+s20+$0x0], $0xffff  }
0x75: {  	v11 =	vld.idx.msk [tilespmem:v11+s20+$0x0], $0xffff  }
0x76: {  	s10 =	sadd.s32 $0x40, s10;
	[tilespmem:s9+$0x1A10] =	vst v13  }
0x77: {  	v3 =	vld.idx.msk [tilespmem:v3+s20+$0x0], $0xffff;
	s10 =	sand.u32 $0xFC0, s10;
	[tilespmem:s12+$0xD30] =	vst v18  }
0x78: {  	v60 =	vld.idx.msk [tilespmem:v59+s20+$0x0], $0xffff;
	[tilespmem:s10+$0xEA00] =	vst v12  }
0x79: {  	v61 =	vor.u32 $0x180, v0;
	v5 =	vld.idx.msk [tilespmem:v5+s20+$0x0], $0xffff;
	[tilespmem:s12+$0xD10] =	vst v10  }
0x7a: {  	[tilespmem:s12+$0xD20] =	vst v11;
	v4 =	vld.idx.msk [tilespmem:v4+s20+$0x0], $0xffff  }
0x7b: {  	[tilespmem:s9+$0x1A20] =	vst v14;
	v6 =	vld.idx.msk [tilespmem:v6+s20+$0x0], $0xffff  }
0x7c: {  	v1 =	vld.idx.msk [tilespmem:v1+s20+$0x0], $0xffff;
	[tilespmem:s17+$0x10400] =	vst v3  }
0x7d: {  	v2 =	vld.idx.msk [tilespmem:v2+s20+$0x0], $0xffff;
	[tilespmem:s12+$0x1A30] =	vst v60  }
0x7e: {  	v0 =	vld.idx.msk [tilespmem:v61+s20+$0x0], $0xffff;
	[tilespmem:s10+$0xF700] =	vst v5  }
0x7f: {  	[tilespmem:s12+$0x1A10] =	vst v4;
	v62 =	vld.idx.msk [tilespmem:v9+s20+$0x0], $0xffff  }
0x80: {  	[tilespmem:s12+$0x1A20] =	vst v6;
	v4 =	vld.idx.msk [tilespmem:v8+s20+$0x0], $0xffff  }
0x81: {  	[tilespmem:s9+$0x2710] =	vst v1;
	v63 =	vld.idx.msk [tilespmem:v7+s20+$0x0], $0xffff  }
0x82: {  	p1 =	sne.s32 s5, $0x7;
	[tilespmem:s9+$0x2720] =	vst v2;
	s9 =	smul.u32 $0xD000, s5  }
.Ltmp3:
0x83: {  	[tilespmem:s12+$0x2730] =	vst v0;
	(pc) =	sbr.rel @p1 .LBB2_6-.Ltmp3, $4  }
0x84: {  	s30 =	sadd.s32 s6, s9;
	[tilespmem:s10+$0x10400] =	vst v62  }
0x85: {  	s10 =	sshrl.u32 s30, $0x3;
	[tilespmem:s12+$0x2710] =	vst v4  }
0x86: {  	s0 =	simm.s32 $0xDD00;
	s10 =	sadd.s32 s3, s10;
	[tilespmem:s12+$0x2720] =	vst v63  }
0x87: {  	[hbm4b:s10+s4] =	stream.linear.scatter [tilespmem:s0], [sflag:$0x5], $0x3400, $0x38;
	[tilespmem:$0x1AD00] =	vst v63  }
.Ltmp4:
0x88: {  	(pc) =	sbr.rel .LBB2_7-.Ltmp4, $4  }
0x89: {  	_ = 	snop  }
0x8a: {  	_ =	swait.ge [sflag:s28], $0x3400  }
0x8b: {  	[sflag:s28] =	ssyncset.done $0x0  }
0x8c: {  	[sflag:s28] =	ssyncadd.s32 $0xFFFFCC00  }
.LBB2_6:
0x8d: {  	s0 =	rddreg [dreg:$0x8]  }
.Ltmp5:
0x8e: {  	s10 =	sadd.s32 s24, s0;
	(pc) =	sbr.rel @p0 .LBB2_8-.Ltmp5, $4  }
0x8f: {  	[tilespmem:s20], [sflag:$0x1] =	stream.strided.gather [hbm4b:s10+s18], $0x3400, s19, s18, $0x38;
	[tilespmem:$0x1AD00] =	vst v63  }
0x90: {  	_ =	swait.ge [sflag:s28], $0x3400  }
0x91: {  	[sflag:s28] =	ssyncset.done $0x0  }
0x92: {  	[sflag:s28] =	ssyncadd.s32 $0xFFFFCC00  }
.LBB2_7:
0x93: {  	_ =	swait.ge [sflag:s29], $0x3400  }
0x94: {  	[sflag:s29] =	ssyncset.done $0x0  }
0x95: {  	[sflag:s29] =	ssyncadd.s32 $0xFFFFCC00  }
.LBB2_8:
0x96: {  	s10 =	simm.s32 $0x20  }
0x97: {  	v0 =	vld [tilespmem:s10+$0x10];
	_ =	sdelay $0x1  }
0x98: {  	v1 =	vld [tilespmem:s10+$0xFFFFFFF0]  }
0x99: {  	v2 =	vld [tilespmem:s10+$0xFFFFFFE0]  }
0x9a: {  	v3 =	vld [tilespmem:s10+$0x0]  }
0x9b: {  	v4 =	vshll.u32 v0, $0x2  }
0x9c: {  	v0 =	vand.u32 $0x7F, v0;
	v4 =	vand.u32 $0xFFFFFE00, v4  }
0x9d: {  	v4 =	vor.u32 v0, v4  }
0x9e: {  	v5 =	vshll.u32 v1, $0x2  }
0x9f: {  	v6 =	vshll.u32 v3, $0x2;
	v1 =	vand.u32 $0x7F, v1;
	v0 =	vshll.u32 v2, $0x2  }
0xa0: {  	v3 =	vand.u32 $0x7F, v3;
	v2 =	vand.u32 $0x7F, v2;
	v0 =	vand.u32 $0xFFFFFE00, v0  }
0xa1: {  	v5 =	vand.u32 $0xFFFFFE00, v5;
	v2 =	vor.u32 v2, v0;
	v0 =	vand.u32 $0xFFFFFE00, v6  }
0xa2: {  	v1 =	vor.u32 v1, v5;
	v5 =	vor.u32 v3, v0;
	v0 =	vld.idx.msk [tilespmem:v4+s21+$0x0], $0xffff  }
0xa3: {  	s26 =	simm.s32 $0x60;
	v3 =	vor.u32 $0x80, v4  }
0xa4: {  	v10 =	vld [tilespmem:s26+$0xFFFFFFF0]  }
0xa5: {  	v13 =	vld [tilespmem:s26+$0xFFFFFFE0]  }
0xa6: {  	s17 =	simm.s32 $0x11100;
	v6 =	vld.idx.msk [tilespmem:v2+s21+$0x0], $0xffff  }
0xa7: {  	v9 =	vor.u32 $0x80, v2;
	[tilespmem:s17+$0x30] =	vst v0;
	v0 =	vld [tilespmem:s26+$0x10]  }
0xa8: {  	v3 =	vld.idx.msk [tilespmem:v3+s21+$0x0], $0xffff  }
0xa9: {  	v11 =	vor.u32 $0x100, v4;
	v7 =	vld.idx.msk [tilespmem:v1+s21+$0x0], $0xffff  }
0xaa: {  	v12 =	vor.u32 $0x80, v1;
	v8 =	vld.idx.msk [tilespmem:v5+s21+$0x0], $0xffff  }
0xab: {  	[tilespmem:s17+$0x0] =	vst v6;
	v6 =	vld [tilespmem:s26+$0x0]  }
0xac: {  	v14 =	vor.u32 $0x80, v5;
	v9 =	vld.idx.msk [tilespmem:v9+s21+$0x0], $0xffff;
	v15 =	vshll.u32 v0, $0x2  }
0xad: {  	v16 =	vor.u32 $0x100, v2;
	v0 =	vand.u32 $0x7F, v0;
	[tilespmem:s17+$0xD30] =	vst v3;
	v3 =	vand.u32 $0xFFFFFE00, v15  }
0xae: {  	v4 =	vor.u32 $0x180, v4;
	[tilespmem:s17+$0x10] =	vst v7;
	v7 =	vld.idx.msk [tilespmem:v11+s21+$0x0], $0xffff;
	v0 =	vor.u32 v0, v3  }
0xaf: {  	s12 =	simm.s32 $0x0;
	v15 =	vor.u32 $0x100, v1;
	v3 =	vld.idx.msk [tilespmem:v12+s21+$0x0], $0xffff;
	v11 =	vshll.u32 v10, $0x2;
	v12 =	vshll.u32 v13, $0x2  }
0xb0: {  	s10 =	sand.u32 $0xFC0, s12;
	[tilespmem:s17+$0x20] =	vst v8;
	v8 =	vand.u32 $0xFFFFFE00, v11;
	v11 =	vand.u32 $0x7F, v13;
	v12 =	vand.u32 $0xFFFFFE00, v12  }
0xb1: {  	v14 =	vld.idx.msk [tilespmem:v14+s21+$0x0], $0xffff;
	v10 =	vand.u32 $0x7F, v10;
	v13 =	vshll.u32 v6, $0x2;
	[tilespmem:s10+$0x11E00] =	vst v9;
	v18 =	vor.u32 v11, v12  }
0xb2: {  	v6 =	vand.u32 $0x7F, v6;
	v9 =	vand.u32 $0xFFFFFE00, v13;
	v8 =	vor.u32 v10, v8;
	v11 =	vld.idx.msk [tilespmem:v16+s21+$0x0], $0xffff  }
0xb3: {  	v19 =	vor.u32 v6, v9;
	v6 =	vld.idx.msk [tilespmem:v0+s21+$0x0], $0xffff;
	[tilespmem:s17+$0x1A30] =	vst v7  }
0xb4: {  	v7 =	vor.u32 $0x100, v5;
	[tilespmem:s17+$0xD10] =	vst v3;
	v20 =	vld.idx.msk [tilespmem:v4+s21+$0x0], $0xffff  }
0xb5: {  	v21 =	vor.u32 $0x80, v0;
	v13 =	vld.idx.msk [tilespmem:v15+s21+$0x0], $0xffff  }
0xb6: {  	v15 =	vld.idx.msk [tilespmem:v18+s21+$0x0], $0xffff  }
0xb7: {  	v1 =	vor.u32 $0x180, v1;
	[tilespmem:s17+$0xD20] =	vst v14;
	v12 =	vor.u32 $0x80, v18;
	v10 =	vor.u32 $0x80, v8;
	v16 =	vld.idx.msk [tilespmem:v8+s21+$0x0], $0xffff  }
0xb8: {  	s14 =	simm.s32 $0x11140;
	v9 =	vor.u32 $0x180, v18;
	v3 =	vor.u32 $0x180, v2;
	v2 =	vor.u32 $0x180, v5;
	[tilespmem:s10+$0x12B00] =	vst v11;
	v17 =	vld.idx.msk [tilespmem:v19+s21+$0x0], $0xffff  }
0xb9: {  	v5 =	vor.u32 $0x100, v18;
	v4 =	vor.u32 $0x100, v8;
	v11 =	vor.u32 $0x80, v19;
	[tilespmem:s14+$0x30] =	vst v6;
	v14 =	vld.idx.msk [tilespmem:v7+s21+$0x0], $0xffff  }
0xba: {  	s30 =	simm.s32 $0xA0;
	s26 =	simm.s32 $0x4;
	v8 =	vor.u32 $0x180, v8;
	v6 =	vor.u32 $0x100, v19;
	v7 =	vor.u32 $0x180, v19;
	v18 =	vld.idx.msk [tilespmem:v21+s21+$0x0], $0xffff;
	[tilespmem:s17+$0x2730] =	vst v20  }
.LBB2_9:
0xbb: {  	v19 =	vld [tilespmem:s30+$0x10];
	s26 =	sadd.s32 $0x4, s26;
	[tilespmem:s17+$0x1A10] =	vst v13  }
0xbc: {  	v13 =	vld [tilespmem:s30+$0xFFFFFFF0];
	p2 =	slt.u32 s26, $0xCC;
	[tilespmem:s14+$0x0] =	vst v15;
	v15 =	vor.u32 $0x100, v0  }
0xbd: {  	v20 =	vld [tilespmem:s30+$0x0];
	[tilespmem:s14+$0x10] =	vst v16  }
0xbe: {  	v16 =	vld [tilespmem:s30+$0xFFFFFFE0];
	[tilespmem:s14+$0x20] =	vst v17  }
0xbf: {  	v12 =	vld.idx.msk [tilespmem:v12+s21+$0x0], $0xffff;
	[tilespmem:s17+$0x1A20] =	vst v14  }
0xc0: {  	v14 =	vshll.u32 v19, $0x2;
	v17 =	vld.idx.msk [tilespmem:v10+s21+$0x0], $0xffff;
	[tilespmem:s14+$0xD30] =	vst v18  }
0xc1: {  	v18 =	vand.u32 $0x7F, v19;
	v10 =	vshll.u32 v13, $0x2;
	v14 =	vand.u32 $0xFFFFFE00, v14;
	v15 =	vld.idx.msk [tilespmem:v15+s21+$0x0], $0xffff  }
0xc2: {  	v10 =	vand.u32 $0xFFFFFE00, v10;
	v19 =	vshll.u32 v20, $0x2;
	v14 =	vor.u32 v18, v14;
	v18 =	vld.idx.msk [tilespmem:v11+s21+$0x0], $0xffff  }
0xc3: {  	v21 =	vor.u32 $0x180, v0;
	s12 =	sadd.s32 $0x40, s12;
	v11 =	vshll.u32 v16, $0x2;
	v19 =	vand.u32 $0xFFFFFE00, v19;
	v22 =	vld.idx.msk [tilespmem:v3+s21+$0x0], $0xffff;
	v0 =	vmovc v14;
	v3 =	vmovc v9  }
0xc4: {  	s0 =	sand.u32 $0xFC0, s12;
	v13 =	vand.u32 $0x7F, v13;
	v9 =	vand.u32 $0x7F, v16;
	v11 =	vand.u32 $0xFFFFFE00, v11;
	v16 =	vld.idx.msk [tilespmem:v1+s21+$0x0], $0xffff;
	v1 =	vmovc v8  }
0xc5: {  	v24 =	vor.u32 v13, v10;
	v8 =	vand.u32 $0x7F, v20;
	v23 =	vor.u32 v9, v11;
	[tilespmem:s0+$0x11E00] =	vst v12;
	v20 =	vld.idx.msk [tilespmem:v2+s21+$0x0], $0xffff  }
0xc6: {  	v10 =	vor.u32 $0x80, v24;
	v19 =	vor.u32 v8, v19;
	v2 =	vmovc v7;
	v12 =	vor.u32 $0x80, v23;
	v25 =	vld.idx.msk [tilespmem:v5+s21+$0x0], $0xffff;
	[tilespmem:s14+$0xD10] =	vst v17  }
0xc7: {  	v5 =	vor.u32 $0x100, v23;
	v17 =	vor.u32 $0x100, v24;
	v11 =	vor.u32 $0x80, v19;
	v14 =	vld.idx.msk [tilespmem:v14+s21+$0x0], $0xffff;
	[tilespmem:s14+$0x1A30] =	vst v15  }
0xc8: {  	v8 =	vor.u32 $0x180, v24;
	v9 =	vor.u32 $0x180, v23;
	v26 =	vor.u32 $0x100, v19;
	[tilespmem:s14+$0xD20] =	vst v18;
	v21 =	vld.idx.msk [tilespmem:v21+s21+$0x0], $0xffff  }
0xc9: {  	v7 =	vor.u32 $0x180, v19;
	v18 =	vor.u32 $0x80, v0;
	v13 =	vld.idx.msk [tilespmem:v4+s21+$0x0], $0xffff;
	[tilespmem:s10+$0x13800] =	vst v22;
	v4 =	vmov v17;
	s10 =	smov.u32 s0  }
.Ltmp6:
0xca: {  	v15 =	vld.idx.msk [tilespmem:v23+s21+$0x0], $0xffff;
	[tilespmem:s17+$0x2710] =	vst v16;
	(pc) =	sbr.rel @p2 .LBB2_9-.Ltmp6, $4  }
0xcb: {  	v16 =	vld.idx.msk [tilespmem:v24+s21+$0x0], $0xffff;
	[tilespmem:s17+$0x2720] =	vst v20;
	s17 =	smov.u32 s14  }
0xcc: {  	s14 =	sadd.s32 $0x40, s14;
	v17 =	vld.idx.msk [tilespmem:v19+s21+$0x0], $0xffff;
	[tilespmem:s10+$0x12B00] =	vst v25  }
0xcd: {  	[tilespmem:s14+$0x30] =	vst v14;
	v14 =	vld.idx.msk [tilespmem:v6+s21+$0x0], $0xffff;
	v6 =	vmov v26  }
0xce: {  	s30 =	sadd.s32 $0x40, s30;
	v18 =	vld.idx.msk [tilespmem:v18+s21+$0x0], $0xffff;
	[tilespmem:s17+$0x2730] =	vst v21  }
0xcf: {  	_ =	sdelay $0x2  }
0xd0: {  	[tilespmem:s14+$0x0] =	vst v15  }
0xd1: {  	v59 =	vor.u32 $0x100, v0;
	[tilespmem:s14+$0x10] =	vst v16;
	v12 =	vld.idx.msk [tilespmem:v12+s21+$0x0], $0xffff  }
0xd2: {  	[tilespmem:s14+$0x20] =	vst v17;
	v10 =	vld.idx.msk [tilespmem:v10+s21+$0x0], $0xffff  }
0xd3: {  	v11 =	vld.idx.msk [tilespmem:v11+s21+$0x0], $0xffff  }
0xd4: {  	s0 =	sadd.s32 $0x40, s12;
	[tilespmem:s17+$0x1A10] =	vst v13  }
0xd5: {  	v3 =	vld.idx.msk [tilespmem:v3+s21+$0x0], $0xffff;
	s0 =	sand.u32 $0xFC0, s0;
	[tilespmem:s14+$0xD30] =	vst v18  }
0xd6: {  	v60 =	vld.idx.msk [tilespmem:v59+s21+$0x0], $0xffff;
	[tilespmem:s0+$0x11E00] =	vst v12  }
0xd7: {  	v61 =	vor.u32 $0x180, v0;
	v5 =	vld.idx.msk [tilespmem:v5+s21+$0x0], $0xffff;
	[tilespmem:s14+$0xD10] =	vst v10  }
0xd8: {  	[tilespmem:s14+$0xD20] =	vst v11;
	v4 =	vld.idx.msk [tilespmem:v4+s21+$0x0], $0xffff  }
0xd9: {  	[tilespmem:s17+$0x1A20] =	vst v14;
	v6 =	vld.idx.msk [tilespmem:v6+s21+$0x0], $0xffff  }
0xda: {  	v1 =	vld.idx.msk [tilespmem:v1+s21+$0x0], $0xffff;
	[tilespmem:s10+$0x13800] =	vst v3  }
0xdb: {  	v2 =	vld.idx.msk [tilespmem:v2+s21+$0x0], $0xffff;
	[tilespmem:s14+$0x1A30] =	vst v60  }
0xdc: {  	v0 =	vld.idx.msk [tilespmem:v61+s21+$0x0], $0xffff;
	[tilespmem:s0+$0x12B00] =	vst v5  }
0xdd: {  	[tilespmem:s14+$0x1A10] =	vst v4;
	v62 =	vld.idx.msk [tilespmem:v9+s21+$0x0], $0xffff  }
0xde: {  	[tilespmem:s14+$0x1A20] =	vst v6;
	v4 =	vld.idx.msk [tilespmem:v8+s21+$0x0], $0xffff  }
0xdf: {  	[tilespmem:s17+$0x2710] =	vst v1;
	v63 =	vld.idx.msk [tilespmem:v7+s21+$0x0], $0xffff  }
0xe0: {  	[tilespmem:s17+$0x2720] =	vst v2  }
.Ltmp7:
0xe1: {  	[tilespmem:s14+$0x2730] =	vst v0;
	(pc) =	sbr.rel @p1 .LBB2_12-.Ltmp7, $4  }
0xe2: {  	s26 =	sadd.s32 s9, s11;
	[tilespmem:s0+$0x13800] =	vst v62  }
0xe3: {  	s0 =	sshrl.u32 s26, $0x3;
	[tilespmem:s14+$0x2710] =	vst v4  }
0xe4: {  	s30 =	simm.s32 $0x11100;
	s0 =	sadd.s32 s3, s0;
	[tilespmem:s14+$0x2720] =	vst v63  }
0xe5: {  	[hbm4b:s0+s4] =	stream.linear.scatter [tilespmem:s30], [sflag:$0x6], $0x3400, $0x38;
	[tilespmem:$0x1AD00] =	vst v63  }
.Ltmp8:
0xe6: {  	(pc) =	sbr.rel .LBB2_13-.Ltmp8, $4  }
0xe7: {  	_ = 	snop  }
0xe8: {  	_ =	swait.ge [sflag:s31], $0x3400  }
0xe9: {  	[sflag:s31] =	ssyncset.done $0x0  }
0xea: {  	[sflag:s31] =	ssyncadd.s32 $0xFFFFCC00  }
.LBB2_12:
0xeb: {  	s0 =	rddreg [dreg:$0x9]  }
.Ltmp9:
0xec: {  	s0 =	sadd.s32 s24, s0;
	(pc) =	sbr.rel @p0 .LBB2_14-.Ltmp9, $4  }
0xed: {  	[tilespmem:s21], [sflag:$0x2] =	stream.strided.gather [hbm4b:s0+s18], $0x3400, s19, s18, $0x38;
	[tilespmem:$0x1AD00] =	vst v63  }
0xee: {  	_ =	swait.ge [sflag:s31], $0x3400  }
0xef: {  	[sflag:s31] =	ssyncset.done $0x0  }
0xf0: {  	[sflag:s31] =	ssyncadd.s32 $0xFFFFCC00  }
.LBB2_13:
0xf1: {  	_ =	swait.ge [sflag:s1], $0x3400  }
0xf2: {  	[sflag:s1] =	ssyncset.done $0x0  }
0xf3: {  	[sflag:s1] =	ssyncadd.s32 $0xFFFFCC00  }
.LBB2_14:
0xf4: {  	s0 =	simm.s32 $0x20  }
0xf5: {  	v0 =	vld [tilespmem:s0+$0x10];
	_ =	sdelay $0x1  }
0xf6: {  	v1 =	vld [tilespmem:s0+$0xFFFFFFF0]  }
0xf7: {  	v2 =	vld [tilespmem:s0+$0xFFFFFFE0]  }
0xf8: {  	v3 =	vld [tilespmem:s0+$0x0]  }
0xf9: {  	v4 =	vshll.u32 v0, $0x2  }
0xfa: {  	v0 =	vand.u32 $0x7F, v0;
	v4 =	vand.u32 $0xFFFFFE00, v4  }
0xfb: {  	v4 =	vor.u32 v0, v4  }
0xfc: {  	v5 =	vshll.u32 v1, $0x2  }
0xfd: {  	v6 =	vshll.u32 v3, $0x2;
	v1 =	vand.u32 $0x7F, v1;
	v0 =	vshll.u32 v2, $0x2  }
0xfe: {  	v3 =	vand.u32 $0x7F, v3;
	v2 =	vand.u32 $0x7F, v2;
	v0 =	vand.u32 $0xFFFFFE00, v0  }
0xff: {  	v5 =	vand.u32 $0xFFFFFE00, v5;
	v2 =	vor.u32 v2, v0;
	v0 =	vand.u32 $0xFFFFFE00, v6  }
0x100: {  	v1 =	vor.u32 v1, v5;
	v5 =	vor.u32 v3, v0;
	v0 =	vld.idx.msk [tilespmem:v4+s22+$0x0], $0xffff  }
0x101: {  	s26 =	simm.s32 $0x60;
	v3 =	vor.u32 $0x80, v4  }
0x102: {  	v10 =	vld [tilespmem:s26+$0xFFFFFFF0]  }
0x103: {  	v13 =	vld [tilespmem:s26+$0xFFFFFFE0]  }
0x104: {  	s17 =	simm.s32 $0x14500;
	v6 =	vld.idx.msk [tilespmem:v2+s22+$0x0], $0xffff  }
0x105: {  	v9 =	vor.u32 $0x80, v2;
	[tilespmem:s17+$0x30] =	vst v0;
	v0 =	vld [tilespmem:s26+$0x10]  }
0x106: {  	v3 =	vld.idx.msk [tilespmem:v3+s22+$0x0], $0xffff  }
0x107: {  	v11 =	vor.u32 $0x100, v4;
	v7 =	vld.idx.msk [tilespmem:v1+s22+$0x0], $0xffff  }
0x108: {  	v12 =	vor.u32 $0x80, v1;
	v8 =	vld.idx.msk [tilespmem:v5+s22+$0x0], $0xffff  }
0x109: {  	[tilespmem:s17+$0x0] =	vst v6;
	v6 =	vld [tilespmem:s26+$0x0]  }
0x10a: {  	v14 =	vor.u32 $0x80, v5;
	v9 =	vld.idx.msk [tilespmem:v9+s22+$0x0], $0xffff;
	v15 =	vshll.u32 v0, $0x2  }
0x10b: {  	v16 =	vor.u32 $0x100, v2;
	v0 =	vand.u32 $0x7F, v0;
	[tilespmem:s17+$0xD30] =	vst v3;
	v3 =	vand.u32 $0xFFFFFE00, v15  }
0x10c: {  	v4 =	vor.u32 $0x180, v4;
	[tilespmem:s17+$0x10] =	vst v7;
	v7 =	vld.idx.msk [tilespmem:v11+s22+$0x0], $0xffff;
	v0 =	vor.u32 v0, v3  }
0x10d: {  	s12 =	simm.s32 $0x0;
	v15 =	vor.u32 $0x100, v1;
	v3 =	vld.idx.msk [tilespmem:v12+s22+$0x0], $0xffff;
	v11 =	vshll.u32 v10, $0x2;
	v12 =	vshll.u32 v13, $0x2  }
0x10e: {  	s10 =	sand.u32 $0xFC0, s12;
	[tilespmem:s17+$0x20] =	vst v8;
	v8 =	vand.u32 $0xFFFFFE00, v11;
	v11 =	vand.u32 $0x7F, v13;
	v12 =	vand.u32 $0xFFFFFE00, v12  }
0x10f: {  	v14 =	vld.idx.msk [tilespmem:v14+s22+$0x0], $0xffff;
	v10 =	vand.u32 $0x7F, v10;
	v13 =	vshll.u32 v6, $0x2;
	[tilespmem:s10+$0x15200] =	vst v9;
	v18 =	vor.u32 v11, v12  }
0x110: {  	v6 =	vand.u32 $0x7F, v6;
	v9 =	vand.u32 $0xFFFFFE00, v13;
	v8 =	vor.u32 v10, v8;
	v11 =	vld.idx.msk [tilespmem:v16+s22+$0x0], $0xffff  }
0x111: {  	v19 =	vor.u32 v6, v9;
	v6 =	vld.idx.msk [tilespmem:v0+s22+$0x0], $0xffff;
	[tilespmem:s17+$0x1A30] =	vst v7  }
0x112: {  	v7 =	vor.u32 $0x100, v5;
	[tilespmem:s17+$0xD10] =	vst v3;
	v20 =	vld.idx.msk [tilespmem:v4+s22+$0x0], $0xffff  }
0x113: {  	v21 =	vor.u32 $0x80, v0;
	v13 =	vld.idx.msk [tilespmem:v15+s22+$0x0], $0xffff  }
0x114: {  	v15 =	vld.idx.msk [tilespmem:v18+s22+$0x0], $0xffff  }
0x115: {  	v1 =	vor.u32 $0x180, v1;
	[tilespmem:s17+$0xD20] =	vst v14;
	v12 =	vor.u32 $0x80, v18;
	v10 =	vor.u32 $0x80, v8;
	v16 =	vld.idx.msk [tilespmem:v8+s22+$0x0], $0xffff  }
0x116: {  	s14 =	simm.s32 $0x14540;
	v9 =	vor.u32 $0x180, v18;
	v3 =	vor.u32 $0x180, v2;
	v2 =	vor.u32 $0x180, v5;
	[tilespmem:s10+$0x15F00] =	vst v11;
	v17 =	vld.idx.msk [tilespmem:v19+s22+$0x0], $0xffff  }
0x117: {  	v5 =	vor.u32 $0x100, v18;
	v4 =	vor.u32 $0x100, v8;
	v11 =	vor.u32 $0x80, v19;
	[tilespmem:s14+$0x30] =	vst v6;
	v14 =	vld.idx.msk [tilespmem:v7+s22+$0x0], $0xffff  }
0x118: {  	s30 =	simm.s32 $0xA0;
	s26 =	simm.s32 $0x4;
	v8 =	vor.u32 $0x180, v8;
	v6 =	vor.u32 $0x100, v19;
	v7 =	vor.u32 $0x180, v19;
	v18 =	vld.idx.msk [tilespmem:v21+s22+$0x0], $0xffff;
	[tilespmem:s17+$0x2730] =	vst v20  }
.LBB2_15:
0x119: {  	v19 =	vld [tilespmem:s30+$0x10];
	s26 =	sadd.s32 $0x4, s26;
	[tilespmem:s17+$0x1A10] =	vst v13  }
0x11a: {  	v13 =	vld [tilespmem:s30+$0xFFFFFFF0];
	p2 =	slt.u32 s26, $0xCC;
	[tilespmem:s14+$0x0] =	vst v15;
	v15 =	vor.u32 $0x100, v0  }
0x11b: {  	v20 =	vld [tilespmem:s30+$0x0];
	[tilespmem:s14+$0x10] =	vst v16  }
0x11c: {  	v16 =	vld [tilespmem:s30+$0xFFFFFFE0];
	[tilespmem:s14+$0x20] =	vst v17  }
0x11d: {  	v12 =	vld.idx.msk [tilespmem:v12+s22+$0x0], $0xffff;
	[tilespmem:s17+$0x1A20] =	vst v14  }
0x11e: {  	v14 =	vshll.u32 v19, $0x2;
	v17 =	vld.idx.msk [tilespmem:v10+s22+$0x0], $0xffff;
	[tilespmem:s14+$0xD30] =	vst v18  }
0x11f: {  	v18 =	vand.u32 $0x7F, v19;
	v10 =	vshll.u32 v13, $0x2;
	v14 =	vand.u32 $0xFFFFFE00, v14;
	v15 =	vld.idx.msk [tilespmem:v15+s22+$0x0], $0xffff  }
0x120: {  	v10 =	vand.u32 $0xFFFFFE00, v10;
	v19 =	vshll.u32 v20, $0x2;
	v14 =	vor.u32 v18, v14;
	v18 =	vld.idx.msk [tilespmem:v11+s22+$0x0], $0xffff  }
0x121: {  	v21 =	vor.u32 $0x180, v0;
	s12 =	sadd.s32 $0x40, s12;
	v11 =	vshll.u32 v16, $0x2;
	v19 =	vand.u32 $0xFFFFFE00, v19;
	v22 =	vld.idx.msk [tilespmem:v3+s22+$0x0], $0xffff;
	v0 =	vmovc v14;
	v3 =	vmovc v9  }
0x122: {  	s0 =	sand.u32 $0xFC0, s12;
	v13 =	vand.u32 $0x7F, v13;
	v9 =	vand.u32 $0x7F, v16;
	v11 =	vand.u32 $0xFFFFFE00, v11;
	v16 =	vld.idx.msk [tilespmem:v1+s22+$0x0], $0xffff;
	v1 =	vmovc v8  }
0x123: {  	v24 =	vor.u32 v13, v10;
	v8 =	vand.u32 $0x7F, v20;
	v23 =	vor.u32 v9, v11;
	[tilespmem:s0+$0x15200] =	vst v12;
	v20 =	vld.idx.msk [tilespmem:v2+s22+$0x0], $0xffff  }
0x124: {  	v10 =	vor.u32 $0x80, v24;
	v19 =	vor.u32 v8, v19;
	v2 =	vmovc v7;
	v12 =	vor.u32 $0x80, v23;
	v25 =	vld.idx.msk [tilespmem:v5+s22+$0x0], $0xffff;
	[tilespmem:s14+$0xD10] =	vst v17  }
0x125: {  	v5 =	vor.u32 $0x100, v23;
	v17 =	vor.u32 $0x100, v24;
	v11 =	vor.u32 $0x80, v19;
	v14 =	vld.idx.msk [tilespmem:v14+s22+$0x0], $0xffff;
	[tilespmem:s14+$0x1A30] =	vst v15  }
0x126: {  	v8 =	vor.u32 $0x180, v24;
	v9 =	vor.u32 $0x180, v23;
	v26 =	vor.u32 $0x100, v19;
	[tilespmem:s14+$0xD20] =	vst v18;
	v21 =	vld.idx.msk [tilespmem:v21+s22+$0x0], $0xffff  }
0x127: {  	v7 =	vor.u32 $0x180, v19;
	v18 =	vor.u32 $0x80, v0;
	v13 =	vld.idx.msk [tilespmem:v4+s22+$0x0], $0xffff;
	[tilespmem:s10+$0x16C00] =	vst v22;
	v4 =	vmov v17;
	s10 =	smov.u32 s0  }
.Ltmp10:
0x128: {  	v15 =	vld.idx.msk [tilespmem:v23+s22+$0x0], $0xffff;
	[tilespmem:s17+$0x2710] =	vst v16;
	(pc) =	sbr.rel @p2 .LBB2_15-.Ltmp10, $4  }
0x129: {  	v16 =	vld.idx.msk [tilespmem:v24+s22+$0x0], $0xffff;
	[tilespmem:s17+$0x2720] =	vst v20;
	s17 =	smov.u32 s14  }
0x12a: {  	s14 =	sadd.s32 $0x40, s14;
	v17 =	vld.idx.msk [tilespmem:v19+s22+$0x0], $0xffff;
	[tilespmem:s10+$0x15F00] =	vst v25  }
0x12b: {  	[tilespmem:s14+$0x30] =	vst v14;
	v14 =	vld.idx.msk [tilespmem:v6+s22+$0x0], $0xffff;
	v6 =	vmov v26  }
0x12c: {  	s30 =	sadd.s32 $0x40, s30;
	v18 =	vld.idx.msk [tilespmem:v18+s22+$0x0], $0xffff;
	[tilespmem:s17+$0x2730] =	vst v21  }
0x12d: {  	_ =	sdelay $0x2  }
0x12e: {  	[tilespmem:s14+$0x0] =	vst v15  }
0x12f: {  	v59 =	vor.u32 $0x100, v0;
	[tilespmem:s14+$0x10] =	vst v16;
	v12 =	vld.idx.msk [tilespmem:v12+s22+$0x0], $0xffff  }
0x130: {  	[tilespmem:s14+$0x20] =	vst v17;
	v10 =	vld.idx.msk [tilespmem:v10+s22+$0x0], $0xffff  }
0x131: {  	v11 =	vld.idx.msk [tilespmem:v11+s22+$0x0], $0xffff  }
0x132: {  	s0 =	sadd.s32 $0x40, s12;
	[tilespmem:s17+$0x1A10] =	vst v13  }
0x133: {  	v3 =	vld.idx.msk [tilespmem:v3+s22+$0x0], $0xffff;
	s0 =	sand.u32 $0xFC0, s0;
	[tilespmem:s14+$0xD30] =	vst v18  }
0x134: {  	v60 =	vld.idx.msk [tilespmem:v59+s22+$0x0], $0xffff;
	[tilespmem:s0+$0x15200] =	vst v12  }
0x135: {  	v61 =	vor.u32 $0x180, v0;
	v5 =	vld.idx.msk [tilespmem:v5+s22+$0x0], $0xffff;
	[tilespmem:s14+$0xD10] =	vst v10  }
0x136: {  	[tilespmem:s14+$0xD20] =	vst v11;
	v4 =	vld.idx.msk [tilespmem:v4+s22+$0x0], $0xffff  }
0x137: {  	[tilespmem:s17+$0x1A20] =	vst v14;
	v6 =	vld.idx.msk [tilespmem:v6+s22+$0x0], $0xffff  }
0x138: {  	v1 =	vld.idx.msk [tilespmem:v1+s22+$0x0], $0xffff;
	[tilespmem:s10+$0x16C00] =	vst v3  }
0x139: {  	v2 =	vld.idx.msk [tilespmem:v2+s22+$0x0], $0xffff;
	[tilespmem:s14+$0x1A30] =	vst v60  }
0x13a: {  	v0 =	vld.idx.msk [tilespmem:v61+s22+$0x0], $0xffff;
	[tilespmem:s0+$0x15F00] =	vst v5  }
0x13b: {  	[tilespmem:s14+$0x1A10] =	vst v4;
	v62 =	vld.idx.msk [tilespmem:v9+s22+$0x0], $0xffff  }
0x13c: {  	[tilespmem:s14+$0x1A20] =	vst v6;
	v4 =	vld.idx.msk [tilespmem:v8+s22+$0x0], $0xffff  }
0x13d: {  	[tilespmem:s17+$0x2710] =	vst v1;
	v63 =	vld.idx.msk [tilespmem:v7+s22+$0x0], $0xffff  }
0x13e: {  	[tilespmem:s17+$0x2720] =	vst v2  }
.Ltmp11:
0x13f: {  	[tilespmem:s14+$0x2730] =	vst v0;
	(pc) =	sbr.rel @p1 .LBB2_18-.Ltmp11, $4  }
0x140: {  	s26 =	sadd.s32 s9, s13;
	[tilespmem:s0+$0x16C00] =	vst v62  }
0x141: {  	s0 =	sshrl.u32 s26, $0x3;
	[tilespmem:s14+$0x2710] =	vst v4  }
0x142: {  	s30 =	simm.s32 $0x14500;
	s0 =	sadd.s32 s3, s0;
	[tilespmem:s14+$0x2720] =	vst v63  }
0x143: {  	[hbm4b:s0+s4] =	stream.linear.scatter [tilespmem:s30], [sflag:$0x7], $0x3400, $0x38;
	[tilespmem:$0x1AD00] =	vst v63  }
.Ltmp12:
0x144: {  	(pc) =	sbr.rel .LBB2_19-.Ltmp12, $4  }
0x145: {  	_ = 	snop  }
0x146: {  	_ =	swait.ge [sflag:s2], $0x3400  }
0x147: {  	[sflag:s2] =	ssyncset.done $0x0  }
0x148: {  	[sflag:s2] =	ssyncadd.s32 $0xFFFFCC00  }
.LBB2_18:
0x149: {  	s0 =	rddreg [dreg:$0xa]  }
.Ltmp13:
0x14a: {  	s0 =	sadd.s32 s24, s0;
	(pc) =	sbr.rel @p0 .LBB2_20-.Ltmp13, $4  }
0x14b: {  	[tilespmem:s22], [sflag:$0x3] =	stream.strided.gather [hbm4b:s0+s18], $0x3400, s19, s18, $0x38;
	[tilespmem:$0x1AD00] =	vst v63  }
0x14c: {  	_ =	swait.ge [sflag:s2], $0x3400  }
0x14d: {  	[sflag:s2] =	ssyncset.done $0x0  }
0x14e: {  	[sflag:s2] =	ssyncadd.s32 $0xFFFFCC00  }
.LBB2_19:
0x14f: {  	_ =	swait.ge [sflag:s7], $0x3400  }
0x150: {  	[sflag:s7] =	ssyncset.done $0x0  }
0x151: {  	[sflag:s7] =	ssyncadd.s32 $0xFFFFCC00  }
.LBB2_20:
0x152: {  	s0 =	simm.s32 $0x20  }
0x153: {  	v0 =	vld [tilespmem:s0+$0x10];
	_ =	sdelay $0x1  }
0x154: {  	v1 =	vld [tilespmem:s0+$0xFFFFFFF0]  }
0x155: {  	v2 =	vld [tilespmem:s0+$0xFFFFFFE0]  }
0x156: {  	v3 =	vld [tilespmem:s0+$0x0]  }
0x157: {  	v4 =	vshll.u32 v0, $0x2  }
0x158: {  	v0 =	vand.u32 $0x7F, v0;
	v4 =	vand.u32 $0xFFFFFE00, v4  }
0x159: {  	v4 =	vor.u32 v0, v4  }
0x15a: {  	v5 =	vshll.u32 v1, $0x2  }
0x15b: {  	v6 =	vshll.u32 v3, $0x2;
	v1 =	vand.u32 $0x7F, v1;
	v0 =	vshll.u32 v2, $0x2  }
0x15c: {  	v3 =	vand.u32 $0x7F, v3;
	v2 =	vand.u32 $0x7F, v2;
	v0 =	vand.u32 $0xFFFFFE00, v0  }
0x15d: {  	v5 =	vand.u32 $0xFFFFFE00, v5;
	v2 =	vor.u32 v2, v0;
	v0 =	vand.u32 $0xFFFFFE00, v6  }
0x15e: {  	v1 =	vor.u32 v1, v5;
	v5 =	vor.u32 v3, v0;
	v0 =	vld.idx.msk [tilespmem:v4+s23+$0x0], $0xffff  }
0x15f: {  	s26 =	simm.s32 $0x60;
	v3 =	vor.u32 $0x80, v4  }
0x160: {  	v10 =	vld [tilespmem:s26+$0xFFFFFFF0]  }
0x161: {  	v13 =	vld [tilespmem:s26+$0xFFFFFFE0]  }
0x162: {  	s17 =	simm.s32 $0x17900;
	v6 =	vld.idx.msk [tilespmem:v2+s23+$0x0], $0xffff  }
0x163: {  	v9 =	vor.u32 $0x80, v2;
	[tilespmem:s17+$0x30] =	vst v0;
	v0 =	vld [tilespmem:s26+$0x10]  }
0x164: {  	v3 =	vld.idx.msk [tilespmem:v3+s23+$0x0], $0xffff  }
0x165: {  	v11 =	vor.u32 $0x100, v4;
	v7 =	vld.idx.msk [tilespmem:v1+s23+$0x0], $0xffff  }
0x166: {  	v12 =	vor.u32 $0x80, v1;
	v8 =	vld.idx.msk [tilespmem:v5+s23+$0x0], $0xffff  }
0x167: {  	[tilespmem:s17+$0x0] =	vst v6;
	v6 =	vld [tilespmem:s26+$0x0]  }
0x168: {  	v14 =	vor.u32 $0x80, v5;
	v9 =	vld.idx.msk [tilespmem:v9+s23+$0x0], $0xffff;
	v15 =	vshll.u32 v0, $0x2  }
0x169: {  	v16 =	vor.u32 $0x100, v2;
	v0 =	vand.u32 $0x7F, v0;
	[tilespmem:s17+$0xD30] =	vst v3;
	v3 =	vand.u32 $0xFFFFFE00, v15  }
0x16a: {  	v4 =	vor.u32 $0x180, v4;
	[tilespmem:s17+$0x10] =	vst v7;
	v7 =	vld.idx.msk [tilespmem:v11+s23+$0x0], $0xffff;
	v0 =	vor.u32 v0, v3  }
0x16b: {  	s12 =	simm.s32 $0x0;
	v15 =	vor.u32 $0x100, v1;
	v3 =	vld.idx.msk [tilespmem:v12+s23+$0x0], $0xffff;
	v11 =	vshll.u32 v10, $0x2;
	v12 =	vshll.u32 v13, $0x2  }
0x16c: {  	s10 =	sand.u32 $0xFC0, s12;
	[tilespmem:s17+$0x20] =	vst v8;
	v8 =	vand.u32 $0xFFFFFE00, v11;
	v11 =	vand.u32 $0x7F, v13;
	v12 =	vand.u32 $0xFFFFFE00, v12  }
0x16d: {  	v14 =	vld.idx.msk [tilespmem:v14+s23+$0x0], $0xffff;
	v10 =	vand.u32 $0x7F, v10;
	v13 =	vshll.u32 v6, $0x2;
	[tilespmem:s10+$0x18600] =	vst v9;
	v18 =	vor.u32 v11, v12  }
0x16e: {  	v6 =	vand.u32 $0x7F, v6;
	v9 =	vand.u32 $0xFFFFFE00, v13;
	v8 =	vor.u32 v10, v8;
	v11 =	vld.idx.msk [tilespmem:v16+s23+$0x0], $0xffff  }
0x16f: {  	v19 =	vor.u32 v6, v9;
	v6 =	vld.idx.msk [tilespmem:v0+s23+$0x0], $0xffff;
	[tilespmem:s17+$0x1A30] =	vst v7  }
0x170: {  	v7 =	vor.u32 $0x100, v5;
	[tilespmem:s17+$0xD10] =	vst v3;
	v20 =	vld.idx.msk [tilespmem:v4+s23+$0x0], $0xffff  }
0x171: {  	v21 =	vor.u32 $0x80, v0;
	v13 =	vld.idx.msk [tilespmem:v15+s23+$0x0], $0xffff  }
0x172: {  	v15 =	vld.idx.msk [tilespmem:v18+s23+$0x0], $0xffff  }
0x173: {  	v1 =	vor.u32 $0x180, v1;
	[tilespmem:s17+$0xD20] =	vst v14;
	v12 =	vor.u32 $0x80, v18;
	v10 =	vor.u32 $0x80, v8;
	v16 =	vld.idx.msk [tilespmem:v8+s23+$0x0], $0xffff  }
0x174: {  	s14 =	simm.s32 $0x17940;
	v9 =	vor.u32 $0x180, v18;
	v3 =	vor.u32 $0x180, v2;
	v2 =	vor.u32 $0x180, v5;
	[tilespmem:s10+$0x19300] =	vst v11;
	v17 =	vld.idx.msk [tilespmem:v19+s23+$0x0], $0xffff  }
0x175: {  	v5 =	vor.u32 $0x100, v18;
	v4 =	vor.u32 $0x100, v8;
	v11 =	vor.u32 $0x80, v19;
	[tilespmem:s14+$0x30] =	vst v6;
	v14 =	vld.idx.msk [tilespmem:v7+s23+$0x0], $0xffff  }
0x176: {  	s30 =	simm.s32 $0xA0;
	s26 =	simm.s32 $0x4;
	v8 =	vor.u32 $0x180, v8;
	v6 =	vor.u32 $0x100, v19;
	v7 =	vor.u32 $0x180, v19;
	v18 =	vld.idx.msk [tilespmem:v21+s23+$0x0], $0xffff;
	[tilespmem:s17+$0x2730] =	vst v20  }
.LBB2_21:
0x177: {  	v19 =	vld [tilespmem:s30+$0x10];
	s26 =	sadd.s32 $0x4, s26;
	[tilespmem:s17+$0x1A10] =	vst v13  }
0x178: {  	v13 =	vld [tilespmem:s30+$0xFFFFFFF0];
	p0 =	slt.u32 s26, $0xCC;
	[tilespmem:s14+$0x0] =	vst v15;
	v15 =	vor.u32 $0x100, v0  }
0x179: {  	v20 =	vld [tilespmem:s30+$0x0];
	[tilespmem:s14+$0x10] =	vst v16  }
0x17a: {  	v16 =	vld [tilespmem:s30+$0xFFFFFFE0];
	[tilespmem:s14+$0x20] =	vst v17  }
0x17b: {  	v12 =	vld.idx.msk [tilespmem:v12+s23+$0x0], $0xffff;
	[tilespmem:s17+$0x1A20] =	vst v14  }
0x17c: {  	v14 =	vshll.u32 v19, $0x2;
	v17 =	vld.idx.msk [tilespmem:v10+s23+$0x0], $0xffff;
	[tilespmem:s14+$0xD30] =	vst v18  }
0x17d: {  	v18 =	vand.u32 $0x7F, v19;
	v10 =	vshll.u32 v13, $0x2;
	v14 =	vand.u32 $0xFFFFFE00, v14;
	v15 =	vld.idx.msk [tilespmem:v15+s23+$0x0], $0xffff  }
0x17e: {  	v10 =	vand.u32 $0xFFFFFE00, v10;
	v19 =	vshll.u32 v20, $0x2;
	v14 =	vor.u32 v18, v14;
	v18 =	vld.idx.msk [tilespmem:v11+s23+$0x0], $0xffff  }
0x17f: {  	v21 =	vor.u32 $0x180, v0;
	s12 =	sadd.s32 $0x40, s12;
	v11 =	vshll.u32 v16, $0x2;
	v19 =	vand.u32 $0xFFFFFE00, v19;
	v22 =	vld.idx.msk [tilespmem:v3+s23+$0x0], $0xffff;
	v0 =	vmovc v14;
	v3 =	vmovc v9  }
0x180: {  	s0 =	sand.u32 $0xFC0, s12;
	v13 =	vand.u32 $0x7F, v13;
	v9 =	vand.u32 $0x7F, v16;
	v11 =	vand.u32 $0xFFFFFE00, v11;
	v16 =	vld.idx.msk [tilespmem:v1+s23+$0x0], $0xffff;
	v1 =	vmovc v8  }
0x181: {  	v24 =	vor.u32 v13, v10;
	v8 =	vand.u32 $0x7F, v20;
	v23 =	vor.u32 v9, v11;
	[tilespmem:s0+$0x18600] =	vst v12;
	v20 =	vld.idx.msk [tilespmem:v2+s23+$0x0], $0xffff  }
0x182: {  	v10 =	vor.u32 $0x80, v24;
	v19 =	vor.u32 v8, v19;
	v2 =	vmovc v7;
	v12 =	vor.u32 $0x80, v23;
	v25 =	vld.idx.msk [tilespmem:v5+s23+$0x0], $0xffff;
	[tilespmem:s14+$0xD10] =	vst v17  }
0x183: {  	v5 =	vor.u32 $0x100, v23;
	v17 =	vor.u32 $0x100, v24;
	v11 =	vor.u32 $0x80, v19;
	v14 =	vld.idx.msk [tilespmem:v14+s23+$0x0], $0xffff;
	[tilespmem:s14+$0x1A30] =	vst v15  }
0x184: {  	v8 =	vor.u32 $0x180, v24;
	v9 =	vor.u32 $0x180, v23;
	v26 =	vor.u32 $0x100, v19;
	[tilespmem:s14+$0xD20] =	vst v18;
	v21 =	vld.idx.msk [tilespmem:v21+s23+$0x0], $0xffff  }
0x185: {  	v7 =	vor.u32 $0x180, v19;
	v18 =	vor.u32 $0x80, v0;
	v13 =	vld.idx.msk [tilespmem:v4+s23+$0x0], $0xffff;
	[tilespmem:s10+$0x1A000] =	vst v22;
	v4 =	vmov v17;
	s10 =	smov.u32 s0  }
.Ltmp14:
0x186: {  	v15 =	vld.idx.msk [tilespmem:v23+s23+$0x0], $0xffff;
	[tilespmem:s17+$0x2710] =	vst v16;
	(pc) =	sbr.rel @p0 .LBB2_21-.Ltmp14, $4  }
0x187: {  	v16 =	vld.idx.msk [tilespmem:v24+s23+$0x0], $0xffff;
	[tilespmem:s17+$0x2720] =	vst v20;
	s17 =	smov.u32 s14  }
0x188: {  	s14 =	sadd.s32 $0x40, s14;
	v17 =	vld.idx.msk [tilespmem:v19+s23+$0x0], $0xffff;
	[tilespmem:s10+$0x19300] =	vst v25  }
0x189: {  	[tilespmem:s14+$0x30] =	vst v14;
	v14 =	vld.idx.msk [tilespmem:v6+s23+$0x0], $0xffff;
	v6 =	vmov v26  }
0x18a: {  	s30 =	sadd.s32 $0x40, s30;
	v18 =	vld.idx.msk [tilespmem:v18+s23+$0x0], $0xffff;
	[tilespmem:s17+$0x2730] =	vst v21  }
0x18b: {  	_ =	sdelay $0x2  }
0x18c: {  	[tilespmem:s14+$0x0] =	vst v15  }
0x18d: {  	v59 =	vor.u32 $0x100, v0;
	[tilespmem:s14+$0x10] =	vst v16;
	v12 =	vld.idx.msk [tilespmem:v12+s23+$0x0], $0xffff  }
0x18e: {  	[tilespmem:s14+$0x20] =	vst v17;
	v10 =	vld.idx.msk [tilespmem:v10+s23+$0x0], $0xffff  }
0x18f: {  	v11 =	vld.idx.msk [tilespmem:v11+s23+$0x0], $0xffff  }
0x190: {  	s0 =	sadd.s32 $0x40, s12;
	[tilespmem:s17+$0x1A10] =	vst v13  }
0x191: {  	v3 =	vld.idx.msk [tilespmem:v3+s23+$0x0], $0xffff;
	s0 =	sand.u32 $0xFC0, s0;
	[tilespmem:s14+$0xD30] =	vst v18  }
0x192: {  	v60 =	vld.idx.msk [tilespmem:v59+s23+$0x0], $0xffff;
	[tilespmem:s0+$0x18600] =	vst v12  }
0x193: {  	v61 =	vor.u32 $0x180, v0;
	v5 =	vld.idx.msk [tilespmem:v5+s23+$0x0], $0xffff;
	[tilespmem:s14+$0xD10] =	vst v10  }
0x194: {  	[tilespmem:s14+$0xD20] =	vst v11;
	v4 =	vld.idx.msk [tilespmem:v4+s23+$0x0], $0xffff  }
0x195: {  	[tilespmem:s17+$0x1A20] =	vst v14;
	v6 =	vld.idx.msk [tilespmem:v6+s23+$0x0], $0xffff  }
0x196: {  	v1 =	vld.idx.msk [tilespmem:v1+s23+$0x0], $0xffff;
	[tilespmem:s10+$0x1A000] =	vst v3  }
0x197: {  	v2 =	vld.idx.msk [tilespmem:v2+s23+$0x0], $0xffff;
	[tilespmem:s14+$0x1A30] =	vst v60  }
0x198: {  	v0 =	vld.idx.msk [tilespmem:v61+s23+$0x0], $0xffff;
	[tilespmem:s0+$0x19300] =	vst v5  }
0x199: {  	[tilespmem:s14+$0x1A10] =	vst v4;
	v62 =	vld.idx.msk [tilespmem:v9+s23+$0x0], $0xffff  }
0x19a: {  	[tilespmem:s14+$0x1A20] =	vst v6;
	v4 =	vld.idx.msk [tilespmem:v8+s23+$0x0], $0xffff  }
0x19b: {  	[tilespmem:s17+$0x2710] =	vst v1;
	v63 =	vld.idx.msk [tilespmem:v7+s23+$0x0], $0xffff  }
0x19c: {  	p0 =	seq.s32 s5, $0x7;
	[tilespmem:s17+$0x2720] =	vst v2  }
.Ltmp15:
0x19d: {  	[tilespmem:s14+$0x2730] =	vst v0;
	(pc) =	sbr.rel @p0 .LBB2_24-.Ltmp15, $4  }
0x19e: {  	s30 =	sadd.s32 s9, s15;
	[tilespmem:s0+$0x1A000] =	vst v62  }
0x19f: {  	s0 =	sshrl.u32 s30, $0x3;
	[tilespmem:s14+$0x2710] =	vst v4  }
0x1a0: {  	s0 =	sadd.s32 s3, s0;
	[tilespmem:s14+$0x2720] =	vst v63  }
0x1a1: {  	[hbm4b:s0+s4] =	stream.linear.scatter [tilespmem:s8], [sflag:$0x8], $0x3400, $0x38;
	[tilespmem:$0x1AD00] =	vst v63  }
.Ltmp16:
0x1a2: {  	(pc) =	sbr.rel .LBB2_2-.Ltmp16, $3  }
0x1a3: {  	_ =	sdelay $0x1  }
0x1a4: {  	s0 =	sadd.s32 s24, s16;
	s5 =	sadd.s32 $0x1, s5  }
0x1a5: {  	[tilespmem:s23], [sflag:$0x4] =	stream.strided.gather [hbm4b:s0+s18], $0x3400, s19, s18, $0x38;
	[tilespmem:$0x1AD00] =	vst v63  }
.LBB2_25:
0x1a6: {  	_ =	sfence.sel $0x180000  }
0x1a7: {  	[bflag:$0x0] =	sbarrier.arrive $0xFFFF  }
0x1a8: {  	_ =	strace $0x90000047  }
0x1a9: {  	s0 =	stileid.u32;
	[bflag:$0x2] =	sbarrier.arrive $0xFFFF  }
0x1aa: {  	p0 =	sne.s32 s0, $0x0;
	s0 =	rddreg [dreg:$0x3]  }
0x1ab: {  	s0 =	sadd.s32 @!p0 $0x100000, s0  }
0x1ac: {  	[sflag:s0] =	ssyncadd.tile.s32 @!p0 $0x1;
	_ =	shalt  }
.Lfunc_end2:
_tile_overlayer_lowered:
.L_overlay_start_2:
0x1ad: {  	(tag) =	ssettag $0x2  }
0x1ae: {  	s0 =	rddreg [dreg:$0x0];
	s2 =	stileid.u32  }
0x1af: {  	s1 =	rddreg [dreg:$0x1];
	p0 =	sne.s32 s2, $0x0  }
0x1b0: {  	s3 =	rddreg [dreg:$0x2];
	[bflag:$0x3] =	sbarrier.arrive $0xFFFF;
	s2 =	simm.s32 @!p0 $0x1C09  }
0x1b1: {  	[timem:s3], [sflag:s2] =	dma.local @!p0 [hbm:s0], s1  }
0x1b2: {  	s0 =	simm.s32 @!p0 $0x9  }
0x1b3: {  	_ =	swait.ge @!p0 [sflag:s0], s1  }
0x1b4: {  	s1 =	ssub.s32 @!p0 $0x0, s1;
	[sflag:s0] =	ssyncset.done @!p0 $0x0  }
0x1b5: {  	[sflag:s0] =	ssyncadd.s32 @!p0 s1  }
0x1b6: {  	[bflag:$0x3] =	sbarrier.arrive $0xFFFF  }
0x1b7: {  	_ =	shalt  }

</sc_bundles>
